<compile_context>
chip_gen: v7x
topology: tpu7x:2x2x1
jax: 0.10.2.dev20260603
libtpu: 0.0.44.dev20260713+nightly
codegen_flags: <defaults>
</compile_context>

<pallas_src>
import functools
import jax
import jax.numpy as jnp
from jax import lax
from jax.experimental import pallas as pl
from jax.experimental.pallas import tpu as pltpu
from jax.experimental.pallas import tpu_sc as plsc

K = 1_000_000
D = 64
B = 16_384

FV_ROWS = K * D // 128
NEW_FV_ROWS = B * D // 128
NW = 32
FV_U = FV_ROWS // 8
SPAN = 15_632
CH = 256
NSLOT = 3
NCH = 62
LAST_OFF = SPAN - CH

NEW_L = B
OLD_L_U = (K - B) // 8
LSPAN = 30_744
LC0 = 16_384
LC1 = LSPAN - LC0


def _sc_body(nv_ref, fv_ref, ln_ref, lv_ref, out_f_ref, out_l_ref,
             shbuf, lbuf, in_sem, out_sem, lsem):
    sid = lax.axis_index("s")
    wid = sid * 2 + lax.axis_index("c")
    fbuf = shbuf.at[sid]
    base = jnp.minimum(8 * ((wid * FV_U) // NW), FV_ROWS - SPAN)
    base = pl.multiple_of(base, 8)

    def chunk_start(c):
        return pl.multiple_of(base + jnp.minimum(c * CH, LAST_OFF), 8)

    def start_in(c):
        slot = lax.rem(c, NSLOT)
        g = chunk_start(c)

        @pl.when(g < NEW_FV_ROWS)
        def _():
            pltpu.make_async_copy(
                nv_ref.at[pl.ds(g, CH)], fbuf.at[slot], in_sem.at[slot]).start()

        @pl.when(g >= NEW_FV_ROWS)
        def _():
            pltpu.make_async_copy(
                fv_ref.at[pl.ds(g, CH)], fbuf.at[slot], in_sem.at[slot]).start()

    def wait_in(c):
        slot = lax.rem(c, NSLOT)
        pltpu.make_async_copy(
            fv_ref.at[pl.ds(0, CH)], fbuf.at[slot], in_sem.at[slot]).wait()

    def start_out(c):
        slot = lax.rem(c, NSLOT)
        g = chunk_start(c)
        pltpu.make_async_copy(
            fbuf.at[slot], out_f_ref.at[pl.ds(g, CH)], out_sem.at[slot]).start()

    def wait_out(c):
        slot = lax.rem(c, NSLOT)
        g = chunk_start(c)
        pltpu.make_async_copy(
            fbuf.at[slot], out_f_ref.at[pl.ds(g, CH)], out_sem.at[slot]).wait()

    l0 = jnp.minimum(NEW_L + 8 * ((wid * OLD_L_U) // NW), K - LSPAN)
    l0 = pl.multiple_of(l0, 8)
    l1 = pl.multiple_of(l0 + LC0, 8)
    bufA = lbuf.at[pl.ds(0, LC0)]
    bufB = lbuf.at[pl.ds(LC0, LC1)]
    in_A = lambda: pltpu.make_async_copy(
        lv_ref.at[pl.ds(l0, LC0)], bufA, lsem.at[0])
    out_A = lambda: pltpu.make_async_copy(
        bufA, out_l_ref.at[pl.ds(l0, LC0)], lsem.at[1])
    in_B = lambda: pltpu.make_async_copy(
        lv_ref.at[pl.ds(l1, LC1)], bufB, lsem.at[2])
    out_B = lambda: pltpu.make_async_copy(
        bufB, out_l_ref.at[pl.ds(l1, LC1)], lsem.at[3])
    in_N = lambda: pltpu.make_async_copy(ln_ref, bufA, lsem.at[0])
    out_N = lambda: pltpu.make_async_copy(
        bufA, out_l_ref.at[pl.ds(0, NEW_L)], lsem.at[1])

    start_in(0)
    in_A().start()
    in_B().start()

    def loop_body(c, carry):
        @pl.when(c >= NSLOT - 1)
        def _():
            wait_out(c - (NSLOT - 1))

        @pl.when(c + 1 < NCH)
        def _():
            start_in(c + 1)
        wait_in(c)
        start_out(c)

        @pl.when(c == 10)
        def _():
            in_A().wait()
            out_A().start()
            in_B().wait()
            out_B().start()

        @pl.when(jnp.logical_and(c == 30, wid == 0))
        def _():
            out_A().wait()
            in_N().start()

        @pl.when(jnp.logical_and(c == 40, wid == 0))
        def _():
            in_N().wait()
            out_N().start()
        return carry

    lax.fori_loop(0, NCH, loop_body, 0)
    wait_out(NCH - 2)
    wait_out(NCH - 1)

    @pl.when(wid != 0)
    def _():
        out_A().wait()
    out_B().wait()

    @pl.when(wid == 0)
    def _():
        out_N().wait()


def _make_sc_call():
    mesh = plsc.VectorSubcoreMesh(core_axis_name="c", subcore_axis_name="s")
    return functools.partial(
        pl.kernel,
        out_type=[
            jax.ShapeDtypeStruct((FV_ROWS, 128), jnp.float32),
            jax.ShapeDtypeStruct((K,), jnp.int32),
        ],
        mesh=mesh,
        scratch_types=[
            pltpu.VMEM_SHARED((16, NSLOT, CH, 128), jnp.float32),
            pltpu.VMEM((LSPAN,), jnp.int32),
            pltpu.SemaphoreType.DMA((NSLOT,)),
            pltpu.SemaphoreType.DMA((NSLOT,)),
            pltpu.SemaphoreType.DMA((4,)),
        ],
    )(_sc_body)


def kernel(feats, labels, features, labels_buf):
    fv = features.reshape(FV_ROWS, 128)
    nv = feats.reshape(NEW_FV_ROWS, 128)

    out_f, out_l = _make_sc_call()(nv, fv, labels, labels_buf)

    new_features = out_f.reshape(K, D)
    new_labels = out_l
    new_ptr = jnp.full((1,), B % K, dtype=jnp.int32)
    return (new_features, new_labels, new_ptr)

# --- scband reference (transcript-rebuilt; emitter-appended) ---
"""Pipeline reference for scband-memory-bank-queue-3143916061266 (READ-ONLY COPY).

The authoritative reference and input builder live on the scoring server;
editing this copy changes nothing except your own understanding.
"""

import jax, jax.numpy as jnp
import numpy as np

K = 1000000
D = 64
B = 16384


def setup_inputs(seed: int = 0) -> dict:
    key = jax.random.key(seed)
    k1, k2 = jax.random.split(key)
    feats = jax.random.normal(k1, (B, D), dtype=jnp.float32)
    labels = jax.random.randint(k2, (B,), 0, 1000, dtype=jnp.int32)
    # buffers (registered buffers in the torch module)
    features = jnp.zeros((K, D), dtype=jnp.float32)
    labels_buf = jnp.full((K,), -1, dtype=jnp.int32)
    return {"feats": feats, "labels": labels, "features": features, "labels_buf": labels_buf}


def reference(feats, labels, features, labels_buf):
    # MemoryBankQueue.enqueue with project_to_hyperboloid=False (manifold unused).
    # ptr buffer starts at 0; the FIFO write is expressed as a modular scatter-overwrite,
    # which is exactly equivalent to the torch slice-write / wraparound logic.
    ptr = 0
    bsz = feats.shape[0]
    Kb = features.shape[0]
    idx = (ptr + jnp.arange(bsz)) % Kb
    new_features = features.at[idx].set(feats)
    new_labels = labels_buf.at[idx].set(labels)
    new_ptr = jnp.array([(ptr + bsz) % Kb], dtype=jnp.int32)
    return (new_features, new_labels, new_ptr)

if __name__ == "__main__":
    import jax
    _d = setup_inputs()
    print(jax.jit(kernel)(*tuple(_d.values())))

</pallas_src>

<mosaic_0001>
#map = affine_map<(d0, d1) -> (0, 0)>
#map1 = affine_map<(d0, d1) -> (0)>
module attributes {stable_mosaic.version = 14 : i64} {
  func.func @_sc_body(%arg0: i32, %arg1: i32, %arg2: memref<8192x128xf32, #tpu.memory_space<hbm>>, %arg3: memref<500000x128xf32, #tpu.memory_space<hbm>>, %arg4: memref<16384xi32, #tpu.memory_space<hbm>>, %arg5: memref<1000000xi32, #tpu.memory_space<hbm>>, %arg6: memref<500000x128xf32, #tpu.memory_space<hbm>>, %arg7: memref<1000000xi32, #tpu.memory_space<hbm>>, %arg8: memref<16x3x256x128xf32, #tpu.memory_space<vmem_shared>>, %arg9: memref<30744xi32, #tpu.memory_space<vmem>>, %arg10: memref<3x!tpu.dma_semaphore, #tpu.memory_space<semaphore_mem>>, %arg11: memref<3x!tpu.dma_semaphore, #tpu.memory_space<semaphore_mem>>, %arg12: memref<4x!tpu.dma_semaphore, #tpu.memory_space<semaphore_mem>>) attributes {dimension_semantics = [#tpu.dimension_semantics<core_parallel>, #tpu.dimension_semantics<subcore_parallel>], iteration_bounds = array<i64: 2, 16>, scalar_prefetch = 0 : i64, scratch_operands = 5 : i64, tpu.core_type = #tpu.core_type<sc_vector_subcore>, window_params = [{transform_indices = #map}, {transform_indices = #map}, {transform_indices = #map1}, {transform_indices = #map1}, {transform_indices = #map}, {transform_indices = #map1}]} {
    %mul3A = arith.constant 2 : i32
    %mul3A_0 = arith.muli %arg1, %mul3A : i32
    %add3A = arith.addi %mul3A_0, %arg0 : i32
    %mul3A_1 = arith.constant 62500 : i32
    %mul3A_2 = arith.muli %add3A, %mul3A_1 : i32
    %jit3A = arith.constant 32 : i32
    %div3A = arith.divsi %mul3A_2, %jit3A : i32
    %sign3A = arith.constant 0 : i32
    %sign3A_3 = arith.cmpi sgt, %mul3A_2, %sign3A : i32
    %sign3A_4 = arith.extui %sign3A_3 : i1 to i32
    %sign3A_5 = arith.constant 0 : i32
    %sign3A_6 = arith.cmpi slt, %mul3A_2, %sign3A_5 : i32
    %sign3A_7 = arith.extui %sign3A_6 : i1 to i32
    %sign3A_8 = arith.subi %sign3A_4, %sign3A_7 : i32
    %sign3A_9 = arith.constant 0 : i32
    %sign3A_10 = arith.cmpi sgt, %jit3A, %sign3A_9 : i32
    %sign3A_11 = arith.extui %sign3A_10 : i1 to i32
    %sign3A_12 = arith.constant 0 : i32
    %sign3A_13 = arith.cmpi slt, %jit3A, %sign3A_12 : i32
    %sign3A_14 = arith.extui %sign3A_13 : i1 to i32
    %sign3A_15 = arith.subi %sign3A_11, %sign3A_14 : i32
    %ne3A = arith.cmpi ne, %sign3A_8, %sign3A_15 : i32
    %rem3A = arith.remsi %mul3A_2, %jit3A : i32
    %ne3A_16 = arith.constant 0 : i32
    %ne3A_17 = arith.cmpi ne, %rem3A, %ne3A_16 : i32
    %and3A = arith.andi %ne3A, %ne3A_17 : i1
    %sub3A = arith.constant 1 : i32
    %sub3A_18 = arith.subi %div3A, %sub3A : i32
    %select_n3A = arith.select %and3A, %sub3A_18, %div3A : i32
    %mul3A_19 = arith.constant 8 : i32
    %mul3A_20 = arith.muli %mul3A_19, %select_n3A : i32
    %min3A = arith.constant 484368 : i32
    %min3A_21 = arith.minsi %mul3A_20, %min3A : i32
    %multiple_of3A = tpu.assume_multiple %min3A_21, 8 : i32
    %mul3A_22 = arith.constant 122952 : i32
    %mul3A_23 = arith.muli %add3A, %mul3A_22 : i32
    %jit3A_24 = arith.constant 32 : i32
    %div3A_25 = arith.divsi %mul3A_23, %jit3A_24 : i32
    %sign3A_26 = arith.constant 0 : i32
    %sign3A_27 = arith.cmpi sgt, %mul3A_23, %sign3A_26 : i32
    %sign3A_28 = arith.extui %sign3A_27 : i1 to i32
    %sign3A_29 = arith.constant 0 : i32
    %sign3A_30 = arith.cmpi slt, %mul3A_23, %sign3A_29 : i32
    %sign3A_31 = arith.extui %sign3A_30 : i1 to i32
    %sign3A_32 = arith.subi %sign3A_28, %sign3A_31 : i32
    %sign3A_33 = arith.constant 0 : i32
    %sign3A_34 = arith.cmpi sgt, %jit3A_24, %sign3A_33 : i32
    %sign3A_35 = arith.extui %sign3A_34 : i1 to i32
    %sign3A_36 = arith.constant 0 : i32
    %sign3A_37 = arith.cmpi slt, %jit3A_24, %sign3A_36 : i32
    %sign3A_38 = arith.extui %sign3A_37 : i1 to i32
    %sign3A_39 = arith.subi %sign3A_35, %sign3A_38 : i32
    %ne3A_40 = arith.cmpi ne, %sign3A_32, %sign3A_39 : i32
    %rem3A_41 = arith.remsi %mul3A_23, %jit3A_24 : i32
    %ne3A_42 = arith.constant 0 : i32
    %ne3A_43 = arith.cmpi ne, %rem3A_41, %ne3A_42 : i32
    %and3A_44 = arith.andi %ne3A_40, %ne3A_43 : i1
    %sub3A_45 = arith.constant 1 : i32
    %sub3A_46 = arith.subi %div3A_25, %sub3A_45 : i32
    %select_n3A_47 = arith.select %and3A_44, %sub3A_46, %div3A_25 : i32
    %mul3A_48 = arith.constant 8 : i32
    %mul3A_49 = arith.muli %mul3A_48, %select_n3A_47 : i32
    %add3A_50 = arith.constant 16384 : i32
    %add3A_51 = arith.addi %add3A_50, %mul3A_49 : i32
    %min3A_52 = arith.constant 969256 : i32
    %min3A_53 = arith.minsi %add3A_51, %min3A_52 : i32
    %multiple_of3A_54 = tpu.assume_multiple %min3A_53, 8 : i32
    %add3A_55 = arith.constant 16384 : i32
    %add3A_56 = arith.addi %multiple_of3A_54, %add3A_55 : i32
    %multiple_of3A_57 = tpu.assume_multiple %add3A_56, 8 : i32
    %rem3A_58 = arith.constant 0 : i32
    %rem3A_59 = arith.constant 3 : i32
    %rem3A_60 = arith.remsi %rem3A_58, %rem3A_59 : i32
    %min3A_61 = arith.constant 0 : i32
    %min3A_62 = arith.constant 15376 : i32
    %min3A_63 = arith.minsi %min3A_61, %min3A_62 : i32
    %add3A_64 = arith.addi %multiple_of3A, %min3A_63 : i32
    %multiple_of3A_65 = tpu.assume_multiple %add3A_64, 8 : i32
    %lt3A = arith.constant 8192 : i32
    %lt3A_66 = arith.cmpi slt, %multiple_of3A_65, %lt3A : i32
    %convert_element_type3A = arith.extui %lt3A_66 : i1 to i32
    %cond3A = arith.constant 0 : i32
    %cond3A_67 = arith.cmpi ne, %convert_element_type3A, %cond3A : i32
    scf.if %cond3A_67 {
      %dma_start3A_153 = tpu.memref_slice %arg10[%rem3A_60] : memref<3x!tpu.dma_semaphore, #tpu.memory_space<semaphore_mem>> -> memref<1x!tpu.dma_semaphore, #tpu.memory_space<semaphore_mem>>
      %dma_start3A_154 = tpu.memref_squeeze %dma_start3A_153 : memref<1x!tpu.dma_semaphore, #tpu.memory_space<semaphore_mem>> -> memref<!tpu.dma_semaphore, #tpu.memory_space<semaphore_mem>>
      %dma_start3A_155 = arith.constant 0 : i32
      %dma_start3A_156 = arith.constant 0 : i32
      %dma_start3A_157 = arith.constant 0 : i32
      %dma_start3A_158 = tpu.memref_slice %arg8[%arg1, %dma_start3A_155, %dma_start3A_156, %dma_start3A_157] : memref<16x3x256x128xf32, #tpu.memory_space<vmem_shared>> -> memref<1x3x256x128xf32, #tpu.memory_space<vmem_shared>>
      %dma_start3A_159 = tpu.memref_squeeze %dma_start3A_158 : memref<1x3x256x128xf32, #tpu.memory_space<vmem_shared>> -> memref<3x256x128xf32, #tpu.memory_space<vmem_shared>>
      %dma_start3A_160 = arith.constant 0 : i32
      %dma_start3A_161 = arith.constant 0 : i32
      %dma_start3A_162 = tpu.memref_slice %dma_start3A_159[%rem3A_60, %dma_start3A_160, %dma_start3A_161] : memref<3x256x128xf32, #tpu.memory_space<vmem_shared>> -> memref<1x256x128xf32, #tpu.memory_space<vmem_shared>>
      %dma_start3A_163 = tpu.memref_squeeze %dma_start3A_162 : memref<1x256x128xf32, #tpu.memory_space<vmem_shared>> -> memref<256x128xf32, #tpu.memory_space<vmem_shared>>
      %dma_start3A_164 = arith.constant 0 : i32
      %dma_start3A_165 = tpu.memref_slice %arg2[%multiple_of3A_65, %dma_start3A_164] : memref<8192x128xf32, #tpu.memory_space<hbm>> -> memref<256x128xf32, #tpu.memory_space<hbm>>
      tpu.enqueue_dma source(%dma_start3A_165 : memref<256x128xf32, #tpu.memory_space<hbm>>) target(%dma_start3A_163 : memref<256x128xf32, #tpu.memory_space<vmem_shared>>) target_semaphore(%dma_start3A_154 : memref<!tpu.dma_semaphore, #tpu.memory_space<semaphore_mem>>)
    } else {
    }
    %ge3A = arith.constant 8192 : i32
    %ge3A_68 = arith.cmpi sge, %multiple_of3A_65, %ge3A : i32
    %convert_element_type3A_69 = arith.extui %ge3A_68 : i1 to i32
    %cond3A_70 = arith.constant 0 : i32
    %cond3A_71 = arith.cmpi ne, %convert_element_type3A_69, %cond3A_70 : i32
    scf.if %cond3A_71 {
      %dma_start3A_153 = tpu.memref_slice %arg10[%rem3A_60] : memref<3x!tpu.dma_semaphore, #tpu.memory_space<semaphore_mem>> -> memref<1x!tpu.dma_semaphore, #tpu.memory_space<semaphore_mem>>
      %dma_start3A_154 = tpu.memref_squeeze %dma_start3A_153 : memref<1x!tpu.dma_semaphore, #tpu.memory_space<semaphore_mem>> -> memref<!tpu.dma_semaphore, #tpu.memory_space<semaphore_mem>>
      %dma_start3A_155 = arith.constant 0 : i32
      %dma_start3A_156 = arith.constant 0 : i32
      %dma_start3A_157 = arith.constant 0 : i32
      %dma_start3A_158 = tpu.memref_slice %arg8[%arg1, %dma_start3A_155, %dma_start3A_156, %dma_start3A_157] : memref<16x3x256x128xf32, #tpu.memory_space<vmem_shared>> -> memref<1x3x256x128xf32, #tpu.memory_space<vmem_shared>>
      %dma_start3A_159 = tpu.memref_squeeze %dma_start3A_158 : memref<1x3x256x128xf32, #tpu.memory_space<vmem_shared>> -> memref<3x256x128xf32, #tpu.memory_space<vmem_shared>>
      %dma_start3A_160 = arith.constant 0 : i32
      %dma_start3A_161 = arith.constant 0 : i32
      %dma_start3A_162 = tpu.memref_slice %dma_start3A_159[%rem3A_60, %dma_start3A_160, %dma_start3A_161] : memref<3x256x128xf32, #tpu.memory_space<vmem_shared>> -> memref<1x256x128xf32, #tpu.memory_space<vmem_shared>>
      %dma_start3A_163 = tpu.memref_squeeze %dma_start3A_162 : memref<1x256x128xf32, #tpu.memory_space<vmem_shared>> -> memref<256x128xf32, #tpu.memory_space<vmem_shared>>
      %dma_start3A_164 = arith.constant 0 : i32
      %dma_start3A_165 = tpu.memref_slice %arg3[%multiple_of3A_65, %dma_start3A_164] : memref<500000x128xf32, #tpu.memory_space<hbm>> -> memref<256x128xf32, #tpu.memory_space<hbm>>
      tpu.enqueue_dma source(%dma_start3A_165 : memref<256x128xf32, #tpu.memory_space<hbm>>) target(%dma_start3A_163 : memref<256x128xf32, #tpu.memory_space<vmem_shared>>) target_semaphore(%dma_start3A_154 : memref<!tpu.dma_semaphore, #tpu.memory_space<semaphore_mem>>)
    } else {
    }
    %dma_start3A = arith.constant 0 : i32
    %dma_start3A_72 = arith.constant 0 : i32
    %dma_start3A_73 = tpu.memref_slice %arg9[%dma_start3A_72] : memref<30744xi32, #tpu.memory_space<vmem>> -> memref<16384xi32, #tpu.memory_space<vmem>>
    %dma_start3A_74 = tpu.memref_slice %arg5[%multiple_of3A_54] : memref<1000000xi32, #tpu.memory_space<hbm>> -> memref<16384xi32, #tpu.memory_space<hbm>>
    %dma_start3A_75 = tpu.memref_slice %arg12[%dma_start3A] : memref<4x!tpu.dma_semaphore, #tpu.memory_space<semaphore_mem>> -> memref<1x!tpu.dma_semaphore, #tpu.memory_space<semaphore_mem>>
    %dma_start3A_76 = tpu.memref_squeeze %dma_start3A_75 : memref<1x!tpu.dma_semaphore, #tpu.memory_space<semaphore_mem>> -> memref<!tpu.dma_semaphore, #tpu.memory_space<semaphore_mem>>
    %dma_start3A_77 = arith.constant 0 : i32
    %dma_start3A_78 = tpu.memref_slice %arg9[%dma_start3A_77] : memref<30744xi32, #tpu.memory_space<vmem>> -> memref<16384xi32, #tpu.memory_space<vmem>>
    %dma_start3A_79 = tpu.memref_slice %arg5[%multiple_of3A_54] : memref<1000000xi32, #tpu.memory_space<hbm>> -> memref<16384xi32, #tpu.memory_space<hbm>>
    tpu.enqueue_dma source(%dma_start3A_79 : memref<16384xi32, #tpu.memory_space<hbm>>) target(%dma_start3A_78 : memref<16384xi32, #tpu.memory_space<vmem>>) target_semaphore(%dma_start3A_76 : memref<!tpu.dma_semaphore, #tpu.memory_space<semaphore_mem>>)
    %dma_start3A_80 = arith.constant 2 : i32
    %dma_start3A_81 = arith.constant 16384 : i32
    %dma_start3A_82 = tpu.memref_slice %arg9[%dma_start3A_81] : memref<30744xi32, #tpu.memory_space<vmem>> -> memref<14360xi32, #tpu.memory_space<vmem>>
    %dma_start3A_83 = tpu.memref_slice %arg5[%multiple_of3A_57] : memref<1000000xi32, #tpu.memory_space<hbm>> -> memref<14360xi32, #tpu.memory_space<hbm>>
    %dma_start3A_84 = tpu.memref_slice %arg12[%dma_start3A_80] : memref<4x!tpu.dma_semaphore, #tpu.memory_space<semaphore_mem>> -> memref<1x!tpu.dma_semaphore, #tpu.memory_space<semaphore_mem>>
    %dma_start3A_85 = tpu.memref_squeeze %dma_start3A_84 : memref<1x!tpu.dma_semaphore, #tpu.memory_space<semaphore_mem>> -> memref<!tpu.dma_semaphore, #tpu.memory_space<semaphore_mem>>
    %dma_start3A_86 = arith.constant 16384 : i32
    %dma_start3A_87 = tpu.memref_slice %arg9[%dma_start3A_86] : memref<30744xi32, #tpu.memory_space<vmem>> -> memref<14360xi32, #tpu.memory_space<vmem>>
    %dma_start3A_88 = tpu.memref_slice %arg5[%multiple_of3A_57] : memref<1000000xi32, #tpu.memory_space<hbm>> -> memref<14360xi32, #tpu.memory_space<hbm>>
    tpu.enqueue_dma source(%dma_start3A_88 : memref<14360xi32, #tpu.memory_space<hbm>>) target(%dma_start3A_87 : memref<14360xi32, #tpu.memory_space<vmem>>) target_semaphore(%dma_start3A_85 : memref<!tpu.dma_semaphore, #tpu.memory_space<semaphore_mem>>)
    %scan3A = arith.constant 0 : i32
    %scan3A_89 = arith.constant 0 : i32
    %scan3A_90 = arith.constant 62 : i32
    %scan3A_91 = arith.addi %scan3A_89, %scan3A_90 : i32
    %scan3A_92 = arith.constant 1 : i32
    scf.for %scan3A_153 = %scan3A_89 to %scan3A_91 step %scan3A_92  : i32 {
      %ge3A_154 = arith.constant 2 : i32
      %ge3A_155 = arith.cmpi sge, %scan3A_153, %ge3A_154 : i32
      %convert_element_type3A_156 = arith.extui %ge3A_155 : i1 to i32
      %cond3A_157 = arith.constant 0 : i32
      %cond3A_158 = arith.cmpi ne, %convert_element_type3A_156, %cond3A_157 : i32
      scf.if %cond3A_158 {
        %sub3A_224 = arith.constant 2 : i32
        %sub3A_225 = arith.subi %scan3A_153, %sub3A_224 : i32
        %rem3A_226 = arith.constant 3 : i32
        %rem3A_227 = arith.remsi %sub3A_225, %rem3A_226 : i32
        %mul3A_228 = arith.constant 256 : i32
        %mul3A_229 = arith.muli %sub3A_225, %mul3A_228 : i32
        %min3A_230 = arith.constant 15376 : i32
        %min3A_231 = arith.minsi %mul3A_229, %min3A_230 : i32
        %add3A_232 = arith.addi %multiple_of3A, %min3A_231 : i32
        %multiple_of3A_233 = tpu.assume_multiple %add3A_232, 8 : i32
        %dma_wait3A_234 = tpu.memref_slice %arg11[%rem3A_227] : memref<3x!tpu.dma_semaphore, #tpu.memory_space<semaphore_mem>> -> memref<1x!tpu.dma_semaphore, #tpu.memory_space<semaphore_mem>>
        %dma_wait3A_235 = tpu.memref_squeeze %dma_wait3A_234 : memref<1x!tpu.dma_semaphore, #tpu.memory_space<semaphore_mem>> -> memref<!tpu.dma_semaphore, #tpu.memory_space<semaphore_mem>>
        %dma_wait3A_236 = arith.constant 0 : i32
        %dma_wait3A_237 = tpu.memref_slice %arg6[%multiple_of3A_233, %dma_wait3A_236] : memref<500000x128xf32, #tpu.memory_space<hbm>> -> memref<256x128xf32, #tpu.memory_space<hbm>>
        %dma_wait3A_238 = arith.constant 0 : i32
        %dma_wait3A_239 = arith.constant 0 : i32
        %dma_wait3A_240 = arith.constant 0 : i32
        %dma_wait3A_241 = tpu.memref_slice %arg8[%arg1, %dma_wait3A_238, %dma_wait3A_239, %dma_wait3A_240] : memref<16x3x256x128xf32, #tpu.memory_space<vmem_shared>> -> memref<1x3x256x128xf32, #tpu.memory_space<vmem_shared>>
        %dma_wait3A_242 = tpu.memref_squeeze %dma_wait3A_241 : memref<1x3x256x128xf32, #tpu.memory_space<vmem_shared>> -> memref<3x256x128xf32, #tpu.memory_space<vmem_shared>>
        %dma_wait3A_243 = arith.constant 0 : i32
        %dma_wait3A_244 = arith.constant 0 : i32
        %dma_wait3A_245 = tpu.memref_slice %dma_wait3A_242[%rem3A_227, %dma_wait3A_243, %dma_wait3A_244] : memref<3x256x128xf32, #tpu.memory_space<vmem_shared>> -> memref<1x256x128xf32, #tpu.memory_space<vmem_shared>>
        %dma_wait3A_246 = tpu.memref_squeeze %dma_wait3A_245 : memref<1x256x128xf32, #tpu.memory_space<vmem_shared>> -> memref<256x128xf32, #tpu.memory_space<vmem_shared>>
        tpu.wait_dma2 semaphore(%dma_wait3A_235 : memref<!tpu.dma_semaphore, #tpu.memory_space<semaphore_mem>>) src(%dma_wait3A_246 : memref<256x128xf32, #tpu.memory_space<vmem_shared>>) dst(%dma_wait3A_237 : memref<256x128xf32, #tpu.memory_space<hbm>>)
      } else {
      }
      %add3A_159 = arith.constant 1 : i32
      %add3A_160 = arith.addi %scan3A_153, %add3A_159 : i32
      %lt3A_161 = arith.constant 62 : i32
      %lt3A_162 = arith.cmpi slt, %add3A_160, %lt3A_161 : i32
      %convert_element_type3A_163 = arith.extui %lt3A_162 : i1 to i32
      %cond3A_164 = arith.constant 0 : i32
      %cond3A_165 = arith.cmpi ne, %convert_element_type3A_163, %cond3A_164 : i32
      scf.if %cond3A_165 {
        %add3A_224 = arith.constant 1 : i32
        %add3A_225 = arith.addi %scan3A_153, %add3A_224 : i32
        %rem3A_226 = arith.constant 3 : i32
        %rem3A_227 = arith.remsi %add3A_225, %rem3A_226 : i32
        %mul3A_228 = arith.constant 256 : i32
        %mul3A_229 = arith.muli %add3A_225, %mul3A_228 : i32
        %min3A_230 = arith.constant 15376 : i32
        %min3A_231 = arith.minsi %mul3A_229, %min3A_230 : i32
        %add3A_232 = arith.addi %multiple_of3A, %min3A_231 : i32
        %multiple_of3A_233 = tpu.assume_multiple %add3A_232, 8 : i32
        %lt3A_234 = arith.constant 8192 : i32
        %lt3A_235 = arith.cmpi slt, %multiple_of3A_233, %lt3A_234 : i32
        %convert_element_type3A_236 = arith.extui %lt3A_235 : i1 to i32
        %cond3A_237 = arith.constant 0 : i32
        %cond3A_238 = arith.cmpi ne, %convert_element_type3A_236, %cond3A_237 : i32
        scf.if %cond3A_238 {
          %dma_start3A_244 = tpu.memref_slice %arg10[%rem3A_227] : memref<3x!tpu.dma_semaphore, #tpu.memory_space<semaphore_mem>> -> memref<1x!tpu.dma_semaphore, #tpu.memory_space<semaphore_mem>>
          %dma_start3A_245 = tpu.memref_squeeze %dma_start3A_244 : memref<1x!tpu.dma_semaphore, #tpu.memory_space<semaphore_mem>> -> memref<!tpu.dma_semaphore, #tpu.memory_space<semaphore_mem>>
          %dma_start3A_246 = arith.constant 0 : i32
          %dma_start3A_247 = arith.constant 0 : i32
          %dma_start3A_248 = arith.constant 0 : i32
          %dma_start3A_249 = tpu.memref_slice %arg8[%arg1, %dma_start3A_246, %dma_start3A_247, %dma_start3A_248] : memref<16x3x256x128xf32, #tpu.memory_space<vmem_shared>> -> memref<1x3x256x128xf32, #tpu.memory_space<vmem_shared>>
          %dma_start3A_250 = tpu.memref_squeeze %dma_start3A_249 : memref<1x3x256x128xf32, #tpu.memory_space<vmem_shared>> -> memref<3x256x128xf32, #tpu.memory_space<vmem_shared>>
          %dma_start3A_251 = arith.constant 0 : i32
          %dma_start3A_252 = arith.constant 0 : i32
          %dma_start3A_253 = tpu.memref_slice %dma_start3A_250[%rem3A_227, %dma_start3A_251, %dma_start3A_252] : memref<3x256x128xf32, #tpu.memory_space<vmem_shared>> -> memref<1x256x128xf32, #tpu.memory_space<vmem_shared>>
          %dma_start3A_254 = tpu.memref_squeeze %dma_start3A_253 : memref<1x256x128xf32, #tpu.memory_space<vmem_shared>> -> memref<256x128xf32, #tpu.memory_space<vmem_shared>>
          %dma_start3A_255 = arith.constant 0 : i32
          %dma_start3A_256 = tpu.memref_slice %arg2[%multiple_of3A_233, %dma_start3A_255] : memref<8192x128xf32, #tpu.memory_space<hbm>> -> memref<256x128xf32, #tpu.memory_space<hbm>>
          tpu.enqueue_dma source(%dma_start3A_256 : memref<256x128xf32, #tpu.memory_space<hbm>>) target(%dma_start3A_254 : memref<256x128xf32, #tpu.memory_space<vmem_shared>>) target_semaphore(%dma_start3A_245 : memref<!tpu.dma_semaphore, #tpu.memory_space<semaphore_mem>>)
        } else {
        }
        %ge3A_239 = arith.constant 8192 : i32
        %ge3A_240 = arith.cmpi sge, %multiple_of3A_233, %ge3A_239 : i32
        %convert_element_type3A_241 = arith.extui %ge3A_240 : i1 to i32
        %cond3A_242 = arith.constant 0 : i32
        %cond3A_243 = arith.cmpi ne, %convert_element_type3A_241, %cond3A_242 : i32
        scf.if %cond3A_243 {
          %dma_start3A_244 = tpu.memref_slice %arg10[%rem3A_227] : memref<3x!tpu.dma_semaphore, #tpu.memory_space<semaphore_mem>> -> memref<1x!tpu.dma_semaphore, #tpu.memory_space<semaphore_mem>>
          %dma_start3A_245 = tpu.memref_squeeze %dma_start3A_244 : memref<1x!tpu.dma_semaphore, #tpu.memory_space<semaphore_mem>> -> memref<!tpu.dma_semaphore, #tpu.memory_space<semaphore_mem>>
          %dma_start3A_246 = arith.constant 0 : i32
          %dma_start3A_247 = arith.constant 0 : i32
          %dma_start3A_248 = arith.constant 0 : i32
          %dma_start3A_249 = tpu.memref_slice %arg8[%arg1, %dma_start3A_246, %dma_start3A_247, %dma_start3A_248] : memref<16x3x256x128xf32, #tpu.memory_space<vmem_shared>> -> memref<1x3x256x128xf32, #tpu.memory_space<vmem_shared>>
          %dma_start3A_250 = tpu.memref_squeeze %dma_start3A_249 : memref<1x3x256x128xf32, #tpu.memory_space<vmem_shared>> -> memref<3x256x128xf32, #tpu.memory_space<vmem_shared>>
          %dma_start3A_251 = arith.constant 0 : i32
          %dma_start3A_252 = arith.constant 0 : i32
          %dma_start3A_253 = tpu.memref_slice %dma_start3A_250[%rem3A_227, %dma_start3A_251, %dma_start3A_252] : memref<3x256x128xf32, #tpu.memory_space<vmem_shared>> -> memref<1x256x128xf32, #tpu.memory_space<vmem_shared>>
          %dma_start3A_254 = tpu.memref_squeeze %dma_start3A_253 : memref<1x256x128xf32, #tpu.memory_space<vmem_shared>> -> memref<256x128xf32, #tpu.memory_space<vmem_shared>>
          %dma_start3A_255 = arith.constant 0 : i32
          %dma_start3A_256 = tpu.memref_slice %arg3[%multiple_of3A_233, %dma_start3A_255] : memref<500000x128xf32, #tpu.memory_space<hbm>> -> memref<256x128xf32, #tpu.memory_space<hbm>>
          tpu.enqueue_dma source(%dma_start3A_256 : memref<256x128xf32, #tpu.memory_space<hbm>>) target(%dma_start3A_254 : memref<256x128xf32, #tpu.memory_space<vmem_shared>>) target_semaphore(%dma_start3A_245 : memref<!tpu.dma_semaphore, #tpu.memory_space<semaphore_mem>>)
        } else {
        }
      } else {
      }
      %rem3A_166 = arith.constant 3 : i32
      %rem3A_167 = arith.remsi %scan3A_153, %rem3A_166 : i32
      %dma_wait3A_168 = tpu.memref_slice %arg10[%rem3A_167] : memref<3x!tpu.dma_semaphore, #tpu.memory_space<semaphore_mem>> -> memref<1x!tpu.dma_semaphore, #tpu.memory_space<semaphore_mem>>
      %dma_wait3A_169 = tpu.memref_squeeze %dma_wait3A_168 : memref<1x!tpu.dma_semaphore, #tpu.memory_space<semaphore_mem>> -> memref<!tpu.dma_semaphore, #tpu.memory_space<semaphore_mem>>
      %dma_wait3A_170 = arith.constant 0 : i32
      %dma_wait3A_171 = arith.constant 0 : i32
      %dma_wait3A_172 = arith.constant 0 : i32
      %dma_wait3A_173 = tpu.memref_slice %arg8[%arg1, %dma_wait3A_170, %dma_wait3A_171, %dma_wait3A_172] : memref<16x3x256x128xf32, #tpu.memory_space<vmem_shared>> -> memref<1x3x256x128xf32, #tpu.memory_space<vmem_shared>>
      %dma_wait3A_174 = tpu.memref_squeeze %dma_wait3A_173 : memref<1x3x256x128xf32, #tpu.memory_space<vmem_shared>> -> memref<3x256x128xf32, #tpu.memory_space<vmem_shared>>
      %dma_wait3A_175 = arith.constant 0 : i32
      %dma_wait3A_176 = arith.constant 0 : i32
      %dma_wait3A_177 = tpu.memref_slice %dma_wait3A_174[%rem3A_167, %dma_wait3A_175, %dma_wait3A_176] : memref<3x256x128xf32, #tpu.memory_space<vmem_shared>> -> memref<1x256x128xf32, #tpu.memory_space<vmem_shared>>
      %dma_wait3A_178 = tpu.memref_squeeze %dma_wait3A_177 : memref<1x256x128xf32, #tpu.memory_space<vmem_shared>> -> memref<256x128xf32, #tpu.memory_space<vmem_shared>>
      %dma_wait3A_179 = arith.constant 0 : i32
      %dma_wait3A_180 = arith.constant 0 : i32
      %dma_wait3A_181 = tpu.memref_slice %arg3[%dma_wait3A_179, %dma_wait3A_180] : memref<500000x128xf32, #tpu.memory_space<hbm>> -> memref<256x128xf32, #tpu.memory_space<hbm>>
      tpu.wait_dma2 semaphore(%dma_wait3A_169 : memref<!tpu.dma_semaphore, #tpu.memory_space<semaphore_mem>>) src(%dma_wait3A_181 : memref<256x128xf32, #tpu.memory_space<hbm>>) dst(%dma_wait3A_178 : memref<256x128xf32, #tpu.memory_space<vmem_shared>>)
      %rem3A_182 = arith.constant 3 : i32
      %rem3A_183 = arith.remsi %scan3A_153, %rem3A_182 : i32
      %mul3A_184 = arith.constant 256 : i32
      %mul3A_185 = arith.muli %scan3A_153, %mul3A_184 : i32
      %min3A_186 = arith.constant 15376 : i32
      %min3A_187 = arith.minsi %mul3A_185, %min3A_186 : i32
      %add3A_188 = arith.addi %multiple_of3A, %min3A_187 : i32
      %multiple_of3A_189 = tpu.assume_multiple %add3A_188, 8 : i32
      %dma_start3A_190 = tpu.memref_slice %arg11[%rem3A_183] : memref<3x!tpu.dma_semaphore, #tpu.memory_space<semaphore_mem>> -> memref<1x!tpu.dma_semaphore, #tpu.memory_space<semaphore_mem>>
      %dma_start3A_191 = tpu.memref_squeeze %dma_start3A_190 : memref<1x!tpu.dma_semaphore, #tpu.memory_space<semaphore_mem>> -> memref<!tpu.dma_semaphore, #tpu.memory_space<semaphore_mem>>
      %dma_start3A_192 = arith.constant 0 : i32
      %dma_start3A_193 = tpu.memref_slice %arg6[%multiple_of3A_189, %dma_start3A_192] : memref<500000x128xf32, #tpu.memory_space<hbm>> -> memref<256x128xf32, #tpu.memory_space<hbm>>
      %dma_start3A_194 = arith.constant 0 : i32
      %dma_start3A_195 = arith.constant 0 : i32
      %dma_start3A_196 = arith.constant 0 : i32
      %dma_start3A_197 = tpu.memref_slice %arg8[%arg1, %dma_start3A_194, %dma_start3A_195, %dma_start3A_196] : memref<16x3x256x128xf32, #tpu.memory_space<vmem_shared>> -> memref<1x3x256x128xf32, #tpu.memory_space<vmem_shared>>
      %dma_start3A_198 = tpu.memref_squeeze %dma_start3A_197 : memref<1x3x256x128xf32, #tpu.memory_space<vmem_shared>> -> memref<3x256x128xf32, #tpu.memory_space<vmem_shared>>
      %dma_start3A_199 = arith.constant 0 : i32
      %dma_start3A_200 = arith.constant 0 : i32
      %dma_start3A_201 = tpu.memref_slice %dma_start3A_198[%rem3A_183, %dma_start3A_199, %dma_start3A_200] : memref<3x256x128xf32, #tpu.memory_space<vmem_shared>> -> memref<1x256x128xf32, #tpu.memory_space<vmem_shared>>
      %dma_start3A_202 = tpu.memref_squeeze %dma_start3A_201 : memref<1x256x128xf32, #tpu.memory_space<vmem_shared>> -> memref<256x128xf32, #tpu.memory_space<vmem_shared>>
      tpu.enqueue_dma source(%dma_start3A_202 : memref<256x128xf32, #tpu.memory_space<vmem_shared>>) target(%dma_start3A_193 : memref<256x128xf32, #tpu.memory_space<hbm>>) target_semaphore(%dma_start3A_191 : memref<!tpu.dma_semaphore, #tpu.memory_space<semaphore_mem>>)
      %eq3A_203 = arith.constant 10 : i32
      %eq3A_204 = arith.cmpi eq, %scan3A_153, %eq3A_203 : i32
      %convert_element_type3A_205 = arith.extui %eq3A_204 : i1 to i32
      %cond3A_206 = arith.constant 0 : i32
      %cond3A_207 = arith.cmpi ne, %convert_element_type3A_205, %cond3A_206 : i32
      scf.if %cond3A_207 {
        %dma_wait3A_224 = arith.constant 0 : i32
        %dma_wait3A_225 = arith.constant 0 : i32
        %dma_wait3A_226 = tpu.memref_slice %arg9[%dma_wait3A_225] : memref<30744xi32, #tpu.memory_space<vmem>> -> memref<16384xi32, #tpu.memory_space<vmem>>
        %dma_wait3A_227 = tpu.memref_slice %arg5[%multiple_of3A_54] : memref<1000000xi32, #tpu.memory_space<hbm>> -> memref<16384xi32, #tpu.memory_space<hbm>>
        %dma_wait3A_228 = tpu.memref_slice %arg12[%dma_wait3A_224] : memref<4x!tpu.dma_semaphore, #tpu.memory_space<semaphore_mem>> -> memref<1x!tpu.dma_semaphore, #tpu.memory_space<semaphore_mem>>
        %dma_wait3A_229 = tpu.memref_squeeze %dma_wait3A_228 : memref<1x!tpu.dma_semaphore, #tpu.memory_space<semaphore_mem>> -> memref<!tpu.dma_semaphore, #tpu.memory_space<semaphore_mem>>
        %dma_wait3A_230 = arith.constant 0 : i32
        %dma_wait3A_231 = tpu.memref_slice %arg9[%dma_wait3A_230] : memref<30744xi32, #tpu.memory_space<vmem>> -> memref<16384xi32, #tpu.memory_space<vmem>>
        %dma_wait3A_232 = tpu.memref_slice %arg5[%multiple_of3A_54] : memref<1000000xi32, #tpu.memory_space<hbm>> -> memref<16384xi32, #tpu.memory_space<hbm>>
        tpu.wait_dma2 semaphore(%dma_wait3A_229 : memref<!tpu.dma_semaphore, #tpu.memory_space<semaphore_mem>>) src(%dma_wait3A_232 : memref<16384xi32, #tpu.memory_space<hbm>>) dst(%dma_wait3A_231 : memref<16384xi32, #tpu.memory_space<vmem>>)
        %dma_start3A_233 = arith.constant 1 : i32
        %dma_start3A_234 = arith.constant 0 : i32
        %dma_start3A_235 = tpu.memref_slice %arg9[%dma_start3A_234] : memref<30744xi32, #tpu.memory_space<vmem>> -> memref<16384xi32, #tpu.memory_space<vmem>>
        %dma_start3A_236 = tpu.memref_slice %arg7[%multiple_of3A_54] : memref<1000000xi32, #tpu.memory_space<hbm>> -> memref<16384xi32, #tpu.memory_space<hbm>>
        %dma_start3A_237 = tpu.memref_slice %arg12[%dma_start3A_233] : memref<4x!tpu.dma_semaphore, #tpu.memory_space<semaphore_mem>> -> memref<1x!tpu.dma_semaphore, #tpu.memory_space<semaphore_mem>>
        %dma_start3A_238 = tpu.memref_squeeze %dma_start3A_237 : memref<1x!tpu.dma_semaphore, #tpu.memory_space<semaphore_mem>> -> memref<!tpu.dma_semaphore, #tpu.memory_space<semaphore_mem>>
        %dma_start3A_239 = tpu.memref_slice %arg7[%multiple_of3A_54] : memref<1000000xi32, #tpu.memory_space<hbm>> -> memref<16384xi32, #tpu.memory_space<hbm>>
        %dma_start3A_240 = arith.constant 0 : i32
        %dma_start3A_241 = tpu.memref_slice %arg9[%dma_start3A_240] : memref<30744xi32, #tpu.memory_space<vmem>> -> memref<16384xi32, #tpu.memory_space<vmem>>
        tpu.enqueue_dma source(%dma_start3A_241 : memref<16384xi32, #tpu.memory_space<vmem>>) target(%dma_start3A_239 : memref<16384xi32, #tpu.memory_space<hbm>>) target_semaphore(%dma_start3A_238 : memref<!tpu.dma_semaphore, #tpu.memory_space<semaphore_mem>>)
        %dma_wait3A_242 = arith.constant 2 : i32
        %dma_wait3A_243 = arith.constant 16384 : i32
        %dma_wait3A_244 = tpu.memref_slice %arg9[%dma_wait3A_243] : memref<30744xi32, #tpu.memory_space<vmem>> -> memref<14360xi32, #tpu.memory_space<vmem>>
        %dma_wait3A_245 = tpu.memref_slice %arg5[%multiple_of3A_57] : memref<1000000xi32, #tpu.memory_space<hbm>> -> memref<14360xi32, #tpu.memory_space<hbm>>
        %dma_wait3A_246 = tpu.memref_slice %arg12[%dma_wait3A_242] : memref<4x!tpu.dma_semaphore, #tpu.memory_space<semaphore_mem>> -> memref<1x!tpu.dma_semaphore, #tpu.memory_space<semaphore_mem>>
        %dma_wait3A_247 = tpu.memref_squeeze %dma_wait3A_246 : memref<1x!tpu.dma_semaphore, #tpu.memory_space<semaphore_mem>> -> memref<!tpu.dma_semaphore, #tpu.memory_space<semaphore_mem>>
        %dma_wait3A_248 = arith.constant 16384 : i32
        %dma_wait3A_249 = tpu.memref_slice %arg9[%dma_wait3A_248] : memref<30744xi32, #tpu.memory_space<vmem>> -> memref<14360xi32, #tpu.memory_space<vmem>>
        %dma_wait3A_250 = tpu.memref_slice %arg5[%multiple_of3A_57] : memref<1000000xi32, #tpu.memory_space<hbm>> -> memref<14360xi32, #tpu.memory_space<hbm>>
        tpu.wait_dma2 semaphore(%dma_wait3A_247 : memref<!tpu.dma_semaphore, #tpu.memory_space<semaphore_mem>>) src(%dma_wait3A_250 : memref<14360xi32, #tpu.memory_space<hbm>>) dst(%dma_wait3A_249 : memref<14360xi32, #tpu.memory_space<vmem>>)
        %dma_start3A_251 = arith.constant 3 : i32
        %dma_start3A_252 = arith.constant 16384 : i32
        %dma_start3A_253 = tpu.memref_slice %arg9[%dma_start3A_252] : memref<30744xi32, #tpu.memory_space<vmem>> -> memref<14360xi32, #tpu.memory_space<vmem>>
        %dma_start3A_254 = tpu.memref_slice %arg7[%multiple_of3A_57] : memref<1000000xi32, #tpu.memory_space<hbm>> -> memref<14360xi32, #tpu.memory_space<hbm>>
        %dma_start3A_255 = tpu.memref_slice %arg12[%dma_start3A_251] : memref<4x!tpu.dma_semaphore, #tpu.memory_space<semaphore_mem>> -> memref<1x!tpu.dma_semaphore, #tpu.memory_space<semaphore_mem>>
        %dma_start3A_256 = tpu.memref_squeeze %dma_start3A_255 : memref<1x!tpu.dma_semaphore, #tpu.memory_space<semaphore_mem>> -> memref<!tpu.dma_semaphore, #tpu.memory_space<semaphore_mem>>
        %dma_start3A_257 = tpu.memref_slice %arg7[%multiple_of3A_57] : memref<1000000xi32, #tpu.memory_space<hbm>> -> memref<14360xi32, #tpu.memory_space<hbm>>
        %dma_start3A_258 = arith.constant 16384 : i32
        %dma_start3A_259 = tpu.memref_slice %arg9[%dma_start3A_258] : memref<30744xi32, #tpu.memory_space<vmem>> -> memref<14360xi32, #tpu.memory_space<vmem>>
        tpu.enqueue_dma source(%dma_start3A_259 : memref<14360xi32, #tpu.memory_space<vmem>>) target(%dma_start3A_257 : memref<14360xi32, #tpu.memory_space<hbm>>) target_semaphore(%dma_start3A_256 : memref<!tpu.dma_semaphore, #tpu.memory_space<semaphore_mem>>)
      } else {
      }
      %eq3A_208 = arith.constant 30 : i32
      %eq3A_209 = arith.cmpi eq, %scan3A_153, %eq3A_208 : i32
      %eq3A_210 = arith.constant 0 : i32
      %eq3A_211 = arith.cmpi eq, %add3A, %eq3A_210 : i32
      %and3A_212 = arith.andi %eq3A_209, %eq3A_211 : i1
      %convert_element_type3A_213 = arith.extui %and3A_212 : i1 to i32
      %cond3A_214 = arith.constant 0 : i32
      %cond3A_215 = arith.cmpi ne, %convert_element_type3A_213, %cond3A_214 : i32
      scf.if %cond3A_215 {
        %dma_wait3A_224 = arith.constant 1 : i32
        %dma_wait3A_225 = arith.constant 0 : i32
        %dma_wait3A_226 = tpu.memref_slice %arg9[%dma_wait3A_225] : memref<30744xi32, #tpu.memory_space<vmem>> -> memref<16384xi32, #tpu.memory_space<vmem>>
        %dma_wait3A_227 = tpu.memref_slice %arg7[%multiple_of3A_54] : memref<1000000xi32, #tpu.memory_space<hbm>> -> memref<16384xi32, #tpu.memory_space<hbm>>
        %dma_wait3A_228 = tpu.memref_slice %arg12[%dma_wait3A_224] : memref<4x!tpu.dma_semaphore, #tpu.memory_space<semaphore_mem>> -> memref<1x!tpu.dma_semaphore, #tpu.memory_space<semaphore_mem>>
        %dma_wait3A_229 = tpu.memref_squeeze %dma_wait3A_228 : memref<1x!tpu.dma_semaphore, #tpu.memory_space<semaphore_mem>> -> memref<!tpu.dma_semaphore, #tpu.memory_space<semaphore_mem>>
        %dma_wait3A_230 = tpu.memref_slice %arg7[%multiple_of3A_54] : memref<1000000xi32, #tpu.memory_space<hbm>> -> memref<16384xi32, #tpu.memory_space<hbm>>
        %dma_wait3A_231 = arith.constant 0 : i32
        %dma_wait3A_232 = tpu.memref_slice %arg9[%dma_wait3A_231] : memref<30744xi32, #tpu.memory_space<vmem>> -> memref<16384xi32, #tpu.memory_space<vmem>>
        tpu.wait_dma2 semaphore(%dma_wait3A_229 : memref<!tpu.dma_semaphore, #tpu.memory_space<semaphore_mem>>) src(%dma_wait3A_232 : memref<16384xi32, #tpu.memory_space<vmem>>) dst(%dma_wait3A_230 : memref<16384xi32, #tpu.memory_space<hbm>>)
        %dma_start3A_233 = arith.constant 0 : i32
        %dma_start3A_234 = arith.constant 0 : i32
        %dma_start3A_235 = tpu.memref_slice %arg9[%dma_start3A_234] : memref<30744xi32, #tpu.memory_space<vmem>> -> memref<16384xi32, #tpu.memory_space<vmem>>
        %dma_start3A_236 = tpu.memref_slice %arg12[%dma_start3A_233] : memref<4x!tpu.dma_semaphore, #tpu.memory_space<semaphore_mem>> -> memref<1x!tpu.dma_semaphore, #tpu.memory_space<semaphore_mem>>
        %dma_start3A_237 = tpu.memref_squeeze %dma_start3A_236 : memref<1x!tpu.dma_semaphore, #tpu.memory_space<semaphore_mem>> -> memref<!tpu.dma_semaphore, #tpu.memory_space<semaphore_mem>>
        %dma_start3A_238 = arith.constant 0 : i32
        %dma_start3A_239 = tpu.memref_slice %arg9[%dma_start3A_238] : memref<30744xi32, #tpu.memory_space<vmem>> -> memref<16384xi32, #tpu.memory_space<vmem>>
        tpu.enqueue_dma source(%arg4 : memref<16384xi32, #tpu.memory_space<hbm>>) target(%dma_start3A_239 : memref<16384xi32, #tpu.memory_space<vmem>>) target_semaphore(%dma_start3A_237 : memref<!tpu.dma_semaphore, #tpu.memory_space<semaphore_mem>>)
      } else {
      }
      %eq3A_216 = arith.constant 40 : i32
      %eq3A_217 = arith.cmpi eq, %scan3A_153, %eq3A_216 : i32
      %eq3A_218 = arith.constant 0 : i32
      %eq3A_219 = arith.cmpi eq, %add3A, %eq3A_218 : i32
      %and3A_220 = arith.andi %eq3A_217, %eq3A_219 : i1
      %convert_element_type3A_221 = arith.extui %and3A_220 : i1 to i32
      %cond3A_222 = arith.constant 0 : i32
      %cond3A_223 = arith.cmpi ne, %convert_element_type3A_221, %cond3A_222 : i32
      scf.if %cond3A_223 {
        %dma_wait3A_224 = arith.constant 0 : i32
        %dma_wait3A_225 = arith.constant 0 : i32
        %dma_wait3A_226 = tpu.memref_slice %arg9[%dma_wait3A_225] : memref<30744xi32, #tpu.memory_space<vmem>> -> memref<16384xi32, #tpu.memory_space<vmem>>
        %dma_wait3A_227 = tpu.memref_slice %arg12[%dma_wait3A_224] : memref<4x!tpu.dma_semaphore, #tpu.memory_space<semaphore_mem>> -> memref<1x!tpu.dma_semaphore, #tpu.memory_space<semaphore_mem>>
        %dma_wait3A_228 = tpu.memref_squeeze %dma_wait3A_227 : memref<1x!tpu.dma_semaphore, #tpu.memory_space<semaphore_mem>> -> memref<!tpu.dma_semaphore, #tpu.memory_space<semaphore_mem>>
        %dma_wait3A_229 = arith.constant 0 : i32
        %dma_wait3A_230 = tpu.memref_slice %arg9[%dma_wait3A_229] : memref<30744xi32, #tpu.memory_space<vmem>> -> memref<16384xi32, #tpu.memory_space<vmem>>
        tpu.wait_dma2 semaphore(%dma_wait3A_228 : memref<!tpu.dma_semaphore, #tpu.memory_space<semaphore_mem>>) src(%arg4 : memref<16384xi32, #tpu.memory_space<hbm>>) dst(%dma_wait3A_230 : memref<16384xi32, #tpu.memory_space<vmem>>)
        %dma_start3A_231 = arith.constant 1 : i32
        %dma_start3A_232 = arith.constant 0 : i32
        %dma_start3A_233 = tpu.memref_slice %arg9[%dma_start3A_232] : memref<30744xi32, #tpu.memory_space<vmem>> -> memref<16384xi32, #tpu.memory_space<vmem>>
        %dma_start3A_234 = arith.constant 0 : i32
        %dma_start3A_235 = tpu.memref_slice %arg7[%dma_start3A_234] : memref<1000000xi32, #tpu.memory_space<hbm>> -> memref<16384xi32, #tpu.memory_space<hbm>>
        %dma_start3A_236 = tpu.memref_slice %arg12[%dma_start3A_231] : memref<4x!tpu.dma_semaphore, #tpu.memory_space<semaphore_mem>> -> memref<1x!tpu.dma_semaphore, #tpu.memory_space<semaphore_mem>>
        %dma_start3A_237 = tpu.memref_squeeze %dma_start3A_236 : memref<1x!tpu.dma_semaphore, #tpu.memory_space<semaphore_mem>> -> memref<!tpu.dma_semaphore, #tpu.memory_space<semaphore_mem>>
        %dma_start3A_238 = arith.constant 0 : i32
        %dma_start3A_239 = tpu.memref_slice %arg7[%dma_start3A_238] : memref<1000000xi32, #tpu.memory_space<hbm>> -> memref<16384xi32, #tpu.memory_space<hbm>>
        %dma_start3A_240 = arith.constant 0 : i32
        %dma_start3A_241 = tpu.memref_slice %arg9[%dma_start3A_240] : memref<30744xi32, #tpu.memory_space<vmem>> -> memref<16384xi32, #tpu.memory_space<vmem>>
        tpu.enqueue_dma source(%dma_start3A_241 : memref<16384xi32, #tpu.memory_space<vmem>>) target(%dma_start3A_239 : memref<16384xi32, #tpu.memory_space<hbm>>) target_semaphore(%dma_start3A_237 : memref<!tpu.dma_semaphore, #tpu.memory_space<semaphore_mem>>)
      } else {
      }
    }
    %scan3A_93 = arith.constant 62 : i32
    %rem3A_94 = arith.constant 60 : i32
    %rem3A_95 = arith.constant 3 : i32
    %rem3A_96 = arith.remsi %rem3A_94, %rem3A_95 : i32
    %min3A_97 = arith.constant 15360 : i32
    %min3A_98 = arith.constant 15376 : i32
    %min3A_99 = arith.minsi %min3A_97, %min3A_98 : i32
    %add3A_100 = arith.addi %multiple_of3A, %min3A_99 : i32
    %multiple_of3A_101 = tpu.assume_multiple %add3A_100, 8 : i32
    %dma_wait3A = tpu.memref_slice %arg11[%rem3A_96] : memref<3x!tpu.dma_semaphore, #tpu.memory_space<semaphore_mem>> -> memref<1x!tpu.dma_semaphore, #tpu.memory_space<semaphore_mem>>
    %dma_wait3A_102 = tpu.memref_squeeze %dma_wait3A : memref<1x!tpu.dma_semaphore, #tpu.memory_space<semaphore_mem>> -> memref<!tpu.dma_semaphore, #tpu.memory_space<semaphore_mem>>
    %dma_wait3A_103 = arith.constant 0 : i32
    %dma_wait3A_104 = tpu.memref_slice %arg6[%multiple_of3A_101, %dma_wait3A_103] : memref<500000x128xf32, #tpu.memory_space<hbm>> -> memref<256x128xf32, #tpu.memory_space<hbm>>
    %dma_wait3A_105 = arith.constant 0 : i32
    %dma_wait3A_106 = arith.constant 0 : i32
    %dma_wait3A_107 = arith.constant 0 : i32
    %dma_wait3A_108 = tpu.memref_slice %arg8[%arg1, %dma_wait3A_105, %dma_wait3A_106, %dma_wait3A_107] : memref<16x3x256x128xf32, #tpu.memory_space<vmem_shared>> -> memref<1x3x256x128xf32, #tpu.memory_space<vmem_shared>>
    %dma_wait3A_109 = tpu.memref_squeeze %dma_wait3A_108 : memref<1x3x256x128xf32, #tpu.memory_space<vmem_shared>> -> memref<3x256x128xf32, #tpu.memory_space<vmem_shared>>
    %dma_wait3A_110 = arith.constant 0 : i32
    %dma_wait3A_111 = arith.constant 0 : i32
    %dma_wait3A_112 = tpu.memref_slice %dma_wait3A_109[%rem3A_96, %dma_wait3A_110, %dma_wait3A_111] : memref<3x256x128xf32, #tpu.memory_space<vmem_shared>> -> memref<1x256x128xf32, #tpu.memory_space<vmem_shared>>
    %dma_wait3A_113 = tpu.memref_squeeze %dma_wait3A_112 : memref<1x256x128xf32, #tpu.memory_space<vmem_shared>> -> memref<256x128xf32, #tpu.memory_space<vmem_shared>>
    tpu.wait_dma2 semaphore(%dma_wait3A_102 : memref<!tpu.dma_semaphore, #tpu.memory_space<semaphore_mem>>) src(%dma_wait3A_113 : memref<256x128xf32, #tpu.memory_space<vmem_shared>>) dst(%dma_wait3A_104 : memref<256x128xf32, #tpu.memory_space<hbm>>)
    %rem3A_114 = arith.constant 61 : i32
    %rem3A_115 = arith.constant 3 : i32
    %rem3A_116 = arith.remsi %rem3A_114, %rem3A_115 : i32
    %min3A_117 = arith.constant 15616 : i32
    %min3A_118 = arith.constant 15376 : i32
    %min3A_119 = arith.minsi %min3A_117, %min3A_118 : i32
    %add3A_120 = arith.addi %multiple_of3A, %min3A_119 : i32
    %multiple_of3A_121 = tpu.assume_multiple %add3A_120, 8 : i32
    %dma_wait3A_122 = tpu.memref_slice %arg11[%rem3A_116] : memref<3x!tpu.dma_semaphore, #tpu.memory_space<semaphore_mem>> -> memref<1x!tpu.dma_semaphore, #tpu.memory_space<semaphore_mem>>
    %dma_wait3A_123 = tpu.memref_squeeze %dma_wait3A_122 : memref<1x!tpu.dma_semaphore, #tpu.memory_space<semaphore_mem>> -> memref<!tpu.dma_semaphore, #tpu.memory_space<semaphore_mem>>
    %dma_wait3A_124 = arith.constant 0 : i32
    %dma_wait3A_125 = tpu.memref_slice %arg6[%multiple_of3A_121, %dma_wait3A_124] : memref<500000x128xf32, #tpu.memory_space<hbm>> -> memref<256x128xf32, #tpu.memory_space<hbm>>
    %dma_wait3A_126 = arith.constant 0 : i32
    %dma_wait3A_127 = arith.constant 0 : i32
    %dma_wait3A_128 = arith.constant 0 : i32
    %dma_wait3A_129 = tpu.memref_slice %arg8[%arg1, %dma_wait3A_126, %dma_wait3A_127, %dma_wait3A_128] : memref<16x3x256x128xf32, #tpu.memory_space<vmem_shared>> -> memref<1x3x256x128xf32, #tpu.memory_space<vmem_shared>>
    %dma_wait3A_130 = tpu.memref_squeeze %dma_wait3A_129 : memref<1x3x256x128xf32, #tpu.memory_space<vmem_shared>> -> memref<3x256x128xf32, #tpu.memory_space<vmem_shared>>
    %dma_wait3A_131 = arith.constant 0 : i32
    %dma_wait3A_132 = arith.constant 0 : i32
    %dma_wait3A_133 = tpu.memref_slice %dma_wait3A_130[%rem3A_116, %dma_wait3A_131, %dma_wait3A_132] : memref<3x256x128xf32, #tpu.memory_space<vmem_shared>> -> memref<1x256x128xf32, #tpu.memory_space<vmem_shared>>
    %dma_wait3A_134 = tpu.memref_squeeze %dma_wait3A_133 : memref<1x256x128xf32, #tpu.memory_space<vmem_shared>> -> memref<256x128xf32, #tpu.memory_space<vmem_shared>>
    tpu.wait_dma2 semaphore(%dma_wait3A_123 : memref<!tpu.dma_semaphore, #tpu.memory_space<semaphore_mem>>) src(%dma_wait3A_134 : memref<256x128xf32, #tpu.memory_space<vmem_shared>>) dst(%dma_wait3A_125 : memref<256x128xf32, #tpu.memory_space<hbm>>)
    %ne3A_135 = arith.constant 0 : i32
    %ne3A_136 = arith.cmpi ne, %add3A, %ne3A_135 : i32
    %convert_element_type3A_137 = arith.extui %ne3A_136 : i1 to i32
    %cond3A_138 = arith.constant 0 : i32
    %cond3A_139 = arith.cmpi ne, %convert_element_type3A_137, %cond3A_138 : i32
    scf.if %cond3A_139 {
      %dma_wait3A_153 = arith.constant 1 : i32
      %dma_wait3A_154 = arith.constant 0 : i32
      %dma_wait3A_155 = tpu.memref_slice %arg9[%dma_wait3A_154] : memref<30744xi32, #tpu.memory_space<vmem>> -> memref<16384xi32, #tpu.memory_space<vmem>>
      %dma_wait3A_156 = tpu.memref_slice %arg7[%multiple_of3A_54] : memref<1000000xi32, #tpu.memory_space<hbm>> -> memref<16384xi32, #tpu.memory_space<hbm>>
      %dma_wait3A_157 = tpu.memref_slice %arg12[%dma_wait3A_153] : memref<4x!tpu.dma_semaphore, #tpu.memory_space<semaphore_mem>> -> memref<1x!tpu.dma_semaphore, #tpu.memory_space<semaphore_mem>>
      %dma_wait3A_158 = tpu.memref_squeeze %dma_wait3A_157 : memref<1x!tpu.dma_semaphore, #tpu.memory_space<semaphore_mem>> -> memref<!tpu.dma_semaphore, #tpu.memory_space<semaphore_mem>>
      %dma_wait3A_159 = tpu.memref_slice %arg7[%multiple_of3A_54] : memref<1000000xi32, #tpu.memory_space<hbm>> -> memref<16384xi32, #tpu.memory_space<hbm>>
      %dma_wait3A_160 = arith.constant 0 : i32
      %dma_wait3A_161 = tpu.memref_slice %arg9[%dma_wait3A_160] : memref<30744xi32, #tpu.memory_space<vmem>> -> memref<16384xi32, #tpu.memory_space<vmem>>
      tpu.wait_dma2 semaphore(%dma_wait3A_158 : memref<!tpu.dma_semaphore, #tpu.memory_space<semaphore_mem>>) src(%dma_wait3A_161 : memref<16384xi32, #tpu.memory_space<vmem>>) dst(%dma_wait3A_159 : memref<16384xi32, #tpu.memory_space<hbm>>)
    } else {
    }
    %dma_wait3A_140 = arith.constant 3 : i32
    %dma_wait3A_141 = arith.constant 16384 : i32
    %dma_wait3A_142 = tpu.memref_slice %arg9[%dma_wait3A_141] : memref<30744xi32, #tpu.memory_space<vmem>> -> memref<14360xi32, #tpu.memory_space<vmem>>
    %dma_wait3A_143 = tpu.memref_slice %arg7[%multiple_of3A_57] : memref<1000000xi32, #tpu.memory_space<hbm>> -> memref<14360xi32, #tpu.memory_space<hbm>>
    %dma_wait3A_144 = tpu.memref_slice %arg12[%dma_wait3A_140] : memref<4x!tpu.dma_semaphore, #tpu.memory_space<semaphore_mem>> -> memref<1x!tpu.dma_semaphore, #tpu.memory_space<semaphore_mem>>
    %dma_wait3A_145 = tpu.memref_squeeze %dma_wait3A_144 : memref<1x!tpu.dma_semaphore, #tpu.memory_space<semaphore_mem>> -> memref<!tpu.dma_semaphore, #tpu.memory_space<semaphore_mem>>
    %dma_wait3A_146 = tpu.memref_slice %arg7[%multiple_of3A_57] : memref<1000000xi32, #tpu.memory_space<hbm>> -> memref<14360xi32, #tpu.memory_space<hbm>>
    %dma_wait3A_147 = arith.constant 16384 : i32
    %dma_wait3A_148 = tpu.memref_slice %arg9[%dma_wait3A_147] : memref<30744xi32, #tpu.memory_space<vmem>> -> memref<14360xi32, #tpu.memory_space<vmem>>
    tpu.wait_dma2 semaphore(%dma_wait3A_145 : memref<!tpu.dma_semaphore, #tpu.memory_space<semaphore_mem>>) src(%dma_wait3A_148 : memref<14360xi32, #tpu.memory_space<vmem>>) dst(%dma_wait3A_146 : memref<14360xi32, #tpu.memory_space<hbm>>)
    %eq3A = arith.constant 0 : i32
    %eq3A_149 = arith.cmpi eq, %add3A, %eq3A : i32
    %convert_element_type3A_150 = arith.extui %eq3A_149 : i1 to i32
    %cond3A_151 = arith.constant 0 : i32
    %cond3A_152 = arith.cmpi ne, %convert_element_type3A_150, %cond3A_151 : i32
    scf.if %cond3A_152 {
      %dma_wait3A_153 = arith.constant 1 : i32
      %dma_wait3A_154 = arith.constant 0 : i32
      %dma_wait3A_155 = tpu.memref_slice %arg9[%dma_wait3A_154] : memref<30744xi32, #tpu.memory_space<vmem>> -> memref<16384xi32, #tpu.memory_space<vmem>>
      %dma_wait3A_156 = arith.constant 0 : i32
      %dma_wait3A_157 = tpu.memref_slice %arg7[%dma_wait3A_156] : memref<1000000xi32, #tpu.memory_space<hbm>> -> memref<16384xi32, #tpu.memory_space<hbm>>
      %dma_wait3A_158 = tpu.memref_slice %arg12[%dma_wait3A_153] : memref<4x!tpu.dma_semaphore, #tpu.memory_space<semaphore_mem>> -> memref<1x!tpu.dma_semaphore, #tpu.memory_space<semaphore_mem>>
      %dma_wait3A_159 = tpu.memref_squeeze %dma_wait3A_158 : memref<1x!tpu.dma_semaphore, #tpu.memory_space<semaphore_mem>> -> memref<!tpu.dma_semaphore, #tpu.memory_space<semaphore_mem>>
      %dma_wait3A_160 = arith.constant 0 : i32
      %dma_wait3A_161 = tpu.memref_slice %arg7[%dma_wait3A_160] : memref<1000000xi32, #tpu.memory_space<hbm>> -> memref<16384xi32, #tpu.memory_space<hbm>>
      %dma_wait3A_162 = arith.constant 0 : i32
      %dma_wait3A_163 = tpu.memref_slice %arg9[%dma_wait3A_162] : memref<30744xi32, #tpu.memory_space<vmem>> -> memref<16384xi32, #tpu.memory_space<vmem>>
      tpu.wait_dma2 semaphore(%dma_wait3A_159 : memref<!tpu.dma_semaphore, #tpu.memory_space<semaphore_mem>>) src(%dma_wait3A_163 : memref<16384xi32, #tpu.memory_space<vmem>>) dst(%dma_wait3A_161 : memref<16384xi32, #tpu.memory_space<hbm>>)
    } else {
    }
    return
  }
}

</mosaic_0001>

<sc_bundles>
// kernel: kernel.3.cloned.1.call-start
scs
__scs_entry_jumppad:
0x0: {  	(pc) =	sbr.rel $0x88, $3  }
0x1: {  	(tag) =	ssettag $0x0;
	lr =	simm.s32 $0x1  }
0x2: {  	[smem:$0x3F9D] =	sst lr;
	_ =	strace $0xD0000000  }
0x3: {  	_ = 	snop  }
0x4: {  	_ = 	snop  }
0x5: {  	_ = 	snop  }
0x6: {  	_ = 	snop  }
0x7: {  	_ = 	snop  }
__scs_overlays_trampoline_lowered:
0x8: {  	[smem:$0x3FAC] =	sst s0  }
0x9: {  	[smem:$0x3FAD] =	sst s1  }
0xa: {  	[smem:$0x3FAE] =	sst s2  }
0xb: {  	[smem:$0x3FAF] =	sst s3  }
0xc: {  	[smem:$0x3FB0] =	sst s4  }
0xd: {  	[smem:$0x3FB1] =	sst s5  }
0xe: {  	[smem:$0x3FB2] =	sst s6  }
0xf: {  	[smem:$0x3FB3] =	sst s7  }
0x10: {  	[smem:$0x3FB4] =	sst s8  }
0x11: {  	[smem:$0x3FB5] =	sst s9;
	s0 =	simm.s32 @!p0 $0x0  }
0x12: {  	s1 =	sld [smem:$0x3F9B];
	s0 =	simm.s32 @p0 $0x1  }
0x13: {  	[smem:$0x3FB6] =	sst s0;
	s0 =	simm.s32 @!p1 $0x0  }
0x14: {  	s2 =	sld [smem:$0x3F9A];
	s0 =	simm.s32 @p1 $0x1  }
0x15: {  	[smem:$0x3FB7] =	sst s0;
	s0 =	simm.s32 @!p2 $0x0  }
0x16: {  	s3 =	sld [smem:$0x3FDB];
	s0 =	simm.s32 @p2 $0x1  }
0x17: {  	s4 =	simm.s32 $0x1BF5;
	[smem:$0x3FB9] =	sst s0  }
0x18: {  	s0 =	sld [smem:$0x3F9C];
	_ =	swait.ge [sflag:s4], $0x0  }
0x19: {  	s7 =	sld [smem:$0x3F9D]  }
0x1a: {  	s8 =	sadd.s32 $0xFFFFE003, lr  }
0x1b: {  	s9 =	sadd.s32 $0xFFFFFEF7, lr;
	s5 =	simm.s32 $0xFFFFFFFF;
	p2 =	slt.u32 s8, $0xFFFFF086  }
0x1c: {  	p1 =	slt.u32 s9, $0xF7A;
	s5 =	simm.s32 @!p2 $0x0  }
0x1d: {  	s5 =	simm.s32 @p1 $0x1;
	p0 =	seq.s32 s7, s2  }
0x1e: {  	s7 =	smul.u32 @!p0 $0xF7A, s2;
	p2 =	seq.s32 @!p0 s5, $0x0  }
0x1f: {  	s9 =	smul.u32 $0xF7A, s1;
	s8 =	simm.s32 @!p0 $0x1BF5;
	p2 =	por !p2, p0  }
0x20: {  	[sflag:s8] =	ssyncset.s32 @!p0 $0xFFFFF086;
	s6 =	sadd.s32 @!p0 s3, s7;
	s7 =	simm.s32 @!p0 $0x108  }
0x21: {  	s3 =	sadd.s32 s3, s9;
	s6 =	sadd.s32 @!p0 $0x88, s6;
	s7 =	simm.s32 @p2 $0x1082  }
0x22: {  	[simem:s7], [sflag:s8] =	dma.local @!p0 [hbm:s6], $0xF7A  }
0x23: {  	s9 =	sor.u32 $0xD0000000, s2;
	s6 =	simm.s32 $0x108;
	_ =	swait.ge @!p0 [sflag:s8], $0x0  }
0x24: {  	s3 =	sadd.s32 $0x88, s3;
	s6 =	simm.s32 @!p1 $0x1082;
	[sflag:s4] =	ssyncset.s32 $0xFFFFF086  }
0x25: {  	[simem:s6], [sflag:s4] =	dma.local [hbm:s3], $0xF7A  }
0x26: {  	[smem:$0x3F9D] =	sst s1;
	(tag) =	ssettag s2;
	_ =	strace s9  }
0x27: {  	s1 =	sld [smem:$0x3FAD]  }
0x28: {  	s2 =	sld [smem:$0x3FAE]  }
0x29: {  	s4 =	sld [smem:$0x3FB0]  }
0x2a: {  	p0 =	seq.s32 s5, $0x0;
	s5 =	sld [smem:$0x3FB1]  }
0x2b: {  	s6 =	sld [smem:$0x3FB2]  }
0x2c: {  	s7 =	sld [smem:$0x3FB3]  }
0x2d: {  	s3 =	simm.s32 $0x108;
	s8 =	sld [smem:$0x3FB4]  }
0x2e: {  	s3 =	simm.s32 @!p0 $0x1082;
	s9 =	sld [smem:$0x3FB5]  }
0x2f: {  	lr =	sadd.s32 s0, s3;
	s0 =	sld [smem:$0x3FAC]  }
0x30: {  	s3 =	sld [smem:$0x3FAF]  }
0x31: {  	[smem:$0x3FB8] =	sst s10  }
0x32: {  	s10 =	sld [smem:$0x3FB6];
	_ =	sdelay $0x3  }
0x33: {  	p0 =	seq.s32 s10, $0x1;
	s10 =	sld [smem:$0x3FB8];
	_ =	sdelay $0x3  }
0x34: {  	[smem:$0x3FB8] =	sst s10  }
0x35: {  	s10 =	sld [smem:$0x3FB7];
	_ =	sdelay $0x3  }
0x36: {  	p1 =	seq.s32 s10, $0x1;
	s10 =	sld [smem:$0x3FB8];
	_ =	sdelay $0x3  }
0x37: {  	[smem:$0x3FB8] =	sst s10  }
0x38: {  	s10 =	sld [smem:$0x3FB9]  }
0x39: {  	_ = 	snop;
	(pc) =	sbr.ind lr, $3  }
0x3a: {  	_ = 	snop  }
0x3b: {  	_ = 	snop  }
0x3c: {  	p2 =	seq.s32 s10, $0x1;
	s10 =	sld [smem:$0x3FB8]  }
0x3d: {  	_ =	shalt  }
0x3e: {  	_ =	shalt  }
0x3f: {  	_ =	shalt  }
0x40: {  	_ =	shalt  }
0x41: {  	_ =	shalt  }
0x42: {  	_ =	shalt  }
0x43: {  	_ =	shalt  }
0x44: {  	_ =	shalt  }
0x45: {  	_ =	shalt  }
0x46: {  	_ =	shalt  }
0x47: {  	_ =	shalt  }
0x48: {  	_ =	shalt  }
0x49: {  	_ =	shalt  }
0x4a: {  	_ =	shalt  }
0x4b: {  	_ =	shalt  }
0x4c: {  	_ =	shalt  }
0x4d: {  	_ =	shalt  }
0x4e: {  	_ =	shalt  }
0x4f: {  	_ =	shalt  }
0x50: {  	_ =	shalt  }
0x51: {  	_ =	shalt  }
0x52: {  	_ =	shalt  }
0x53: {  	_ =	shalt  }
0x54: {  	_ =	shalt  }
0x55: {  	_ =	shalt  }
0x56: {  	_ =	shalt  }
0x57: {  	_ =	shalt  }
0x58: {  	_ =	shalt  }
0x59: {  	_ =	shalt  }
0x5a: {  	_ =	shalt  }
0x5b: {  	_ =	shalt  }
0x5c: {  	_ =	shalt  }
0x5d: {  	_ =	shalt  }
0x5e: {  	_ =	shalt  }
0x5f: {  	_ =	shalt  }
0x60: {  	_ =	shalt  }
0x61: {  	_ =	shalt  }
0x62: {  	_ =	shalt  }
0x63: {  	_ =	shalt  }
0x64: {  	_ =	shalt  }
0x65: {  	_ =	shalt  }
0x66: {  	_ =	shalt  }
0x67: {  	_ =	shalt  }
0x68: {  	_ =	shalt  }
0x69: {  	_ =	shalt  }
0x6a: {  	_ =	shalt  }
0x6b: {  	_ =	shalt  }
0x6c: {  	_ =	shalt  }
0x6d: {  	_ =	shalt  }
0x6e: {  	_ =	shalt  }
0x6f: {  	_ =	shalt  }
0x70: {  	_ =	shalt  }
0x71: {  	_ =	shalt  }
0x72: {  	_ =	shalt  }
0x73: {  	_ =	shalt  }
0x74: {  	_ =	shalt  }
0x75: {  	_ =	shalt  }
0x76: {  	_ =	shalt  }
0x77: {  	_ =	shalt  }
0x78: {  	_ =	shalt  }
0x79: {  	_ =	shalt  }
0x7a: {  	_ =	shalt  }
0x7b: {  	_ =	shalt  }
0x7c: {  	_ =	shalt  }
0x7d: {  	_ =	shalt  }
0x7e: {  	_ =	shalt  }
0x7f: {  	_ =	shalt  }
0x80: {  	_ =	shalt  }
0x81: {  	_ =	shalt  }
0x82: {  	_ =	shalt  }
0x83: {  	_ =	shalt  }
0x84: {  	_ =	shalt  }
0x85: {  	_ =	shalt  }
0x86: {  	_ =	shalt  }
0x87: {  	_ =	shalt  }
.Lfunc_end0:
.L_simem_size_0:
called_computation.1_lowered:
.L_overlay_start_0:
0x88: {  	s2 =	sld [smem:$0x3FD9]  }
0x89: {  	s3 =	sld [smem:$0x3FFE];
	_ =	sdelay $0x1  }
0x8a: {  	s1 =	srdreg.scid  }
0x8b: {  	s0 =	sand.u32 $0x1, s1  }
0x8c: {  	s14 =	sshll.u32 s0, $0xA;
	s2 =	sadd.s32 s3, s2  }
0x8d: {  	s2 =	sadd.s32 s2, s14  }
0x8e: {  	[smem:$0x3FC4] =	sst s2  }
0x8f: {  	_ = 	snop  }
0x90: {  	s2 =	sld [smem:$0x3FD0];
	_ =	sdelay $0x1  }
0x91: {  	s15 =	sld [smem:$0x3FC8]  }
0x92: {  	s5 =	simm.s32 $0xA;
	s6 =	simm.s32 $0x10;
	s4 =	sld [smem:$0x3FC6]  }
0x93: {  	[smem:s6], [sflag:s5] =	dma.local [hbm:s2], $0x1  }
0x94: {  	_ =	swait.eq [sflag:s5], $0x1  }
0x95: {  	[sflag:s5] =	ssyncset.done $0x0  }
0x96: {  	s16 =	sld [smem:$0x10];
	[sflag:s5] =	ssyncadd.s32 $0xFFFFFFFF  }
0x97: {  	s17 =	sld [smem:$0x11];
	(tm) =	ssettm $0x1  }
0x98: {  	s18 =	sld [smem:$0x3FFB];
	_ =	sdelay $0x3  }
0x99: {  	_ =	strace s18  }
0x9a: {  	s6 =	sld [smem:$0x3FFC];
	_ =	sdelay $0x3  }
0x9b: {  	_ =	strace s6  }
0x9c: {  	s6 =	sld [smem:$0x3FFD];
	_ =	sdelay $0x3  }
0x9d: {  	_ =	strace s6  }
0x9e: {  	_ =	strace $0x8FFFFFFF  }
0x9f: {  	s19 =	sld [smem:$0x3FDB];
	_ =	sdelay $0x1  }
0xa0: {  	s7 =	simm.s32 $_scs_section_size  }
0xa1: {  	s8 =	simm.s32 $_size__tile_overlayer_lowered;
	s9 =	simm.s32 $_tile_overlayer_lowered  }
0xa2: {  	s22 =	simm.s32 $0x1BFF;
	s21 =	sshll.u32 s9, $0x1;
	s6 =	sadd.s32 s7, s19  }
0xa3: {  	s10 =	simm.s32 $0x0;
	s20 =	sshll.u32 s8, $0x1;
	s8 =	sadd.s32 s21, s6  }
0xa4: {  	[timem:s10], [sflag:s22] =	dma.local [hbm:s8], s20  }
0xa5: {  	_ =	swait.ge [sflag:s22], s20  }
0xa6: {  	s7 =	ssub.s32 $0x0, s20;
	[sflag:s22] =	ssyncset.done $0x0  }
0xa7: {  	[sflag:s22] =	ssyncadd.s32 s7;
	_ =	sdelay $0x1  }
0xa8: {  	s23 =	simm.s32 $0x1B8B  }
0xa9: {  	_ =	swait.ge [sflag:s23], $0x1  }
0xaa: {  	[sflag:s23] =	ssyncset.done $0x0  }
0xab: {  	s25 =	simm.s32 $0x1B8E;
	s24 =	sld [smem:$0x3FFE];
	[sflag:s23] =	ssyncadd.s32 $0xFFFFFFFF  }
0xac: {  	s26 =	simm.s32 $execute0_lowered;
	[smem:$0x3FD2] =	sst s25  }
0xad: {  	s8 =	sshll.u32 s26, $0x1;
	_ =	strace $0x80000046;
	[dreg:$0x1] =	wrdreg $0xFFFFFFFF  }
0xae: {  	s28 =	simm.s32 $_size_execute0_lowered;
	s6 =	sadd.s32 s6, s8;
	[dreg:$0x0] =	wrdreg $0x0  }
0xaf: {  	s8 =	sshll.u32 s28, $0x1;
	[dreg:$0x2] =	wrdreg s6  }
0xb0: {  	[dreg:$0x3] =	wrdreg s8  }
0xb1: {  	[dreg:$0x4] =	wrdreg $0xC0  }
0xb2: {  	_ =	task [dreg:s10], $0x5FFFF  }
0xb3: {  	[dreg:$0x1] =	wrdreg $0xFFFFFFFF  }
0xb4: {  	[dreg:$0x0] =	wrdreg $0x60  }
0xb5: {  	[dreg:$0x2] =	wrdreg s24  }
0xb6: {  	[dreg:$0x3] =	wrdreg s16  }
0xb7: {  	[dreg:$0x4] =	wrdreg s15  }
0xb8: {  	[dreg:$0x5] =	wrdreg s4  }
0xb9: {  	[dreg:$0x6] =	wrdreg s17  }
0xba: {  	[dreg:$0x7] =	wrdreg $0x0  }
0xbb: {  	[dreg:$0x8] =	wrdreg $0x9  }
0xbc: {  	_ =	task.clear_ibuf [dreg:s10], $0x9FFFF;
	_ =	strace $0x90000046  }
0xbd: {  	s29 =	simm.s32 $0x9;
	_ =	strace $0x80000048  }
0xbe: {  	_ =	swait.ge [sflag:s29], $0x1  }
0xbf: {  	[sflag:s29] =	ssyncadd.s32 $0xFFFFFFFF  }
0xc0: {  	_ =	strace $0x90000048  }
0xc1: {  	_ =	sfence  }
0xc2: {  	s30 =	sld [smem:$0x0];
	_ =	sdelay $0x2  }
0xc3: {  	s31 =	sshll.u32 s1, $0xD;
	s1 =	sshrl.u32 s1, $0x2  }
0xc4: {  	s3 =	sand.u32 $0x4000, s31;
	s1 =	sadd.s32 s1, s30  }
0xc5: {  	s0 =	sor.u32 s3, s0;
	s1 =	sshll.u32 s1, $0x11  }
0xc6: {  	s0 =	sor.u32 s1, s0  }
0xc7: {  	s0 =	sadd.s32 $0x8F2B, s0  }
0xc8: {  	[sflag:s0] =	ssyncadd.remote.s32 $0x1  }
0xc9: {  	_ =	sfence.sel $0xFFFF  }
0xca: {  	[dreg:$0x0] =	wrdreg $0xFFFFFFFF;
	(pc) =	sbr.abs _section_cstart, $3  }
0xcb: {  	[dreg:$0x1] =	wrdreg $0xFFFFFFFF  }
0xcc: {  	_ =	task.clear_ibuf [dreg:s10], $0x2FFFF;
	_ =	strace $0x9FFFFFFF  }
0xcd: {  	(tm) =	ssettm $0x7FFFFFFF  }
tec
execute0_lowered:
.L_overlay_start_1:
0x0: {  	(tag) =	ssettag $0x1  }
0x1: {  	s7 =	rddreg [dreg:$0x0]  }
0x2: {  	s3 =	rddreg [dreg:$0x1]  }
0x3: {  	s2 =	rddreg [dreg:$0x2]  }
0x4: {  	s12 =	rddreg [dreg:$0x3]  }
0x5: {  	s4 =	rddreg [dreg:$0x4]  }
0x6: {  	s9 =	rddreg [dreg:$0x5]  }
0x7: {  	s6 =	srdreg.scid;
	s0 =	stileid.u32  }
0x8: {  	s5 =	simm.s32 $0x0;
	s19 =	simm.s32 $0x18000;
	s20 =	simm.s32 $0x1C000  }
0x9: {  	s21 =	simm.s32 $0x7;
	s22 =	simm.s32 $0x9;
	s23 =	simm.s32 $0x4  }
0xa: {  	s24 =	simm.s32 $0x5;
	s8 =	sand.u32 $0x1, s6;
	s25 =	sshll.u32 s0, $0x1  }
0xb: {  	[smem:$0x7FF] =	sst s5;
	s14 =	smul.u32 $0x60000, s0;
	s25 =	sor.u32 s8, s25  }
0xc: {  	s6 =	sadd.s32 $0xE00, s7;
	s7 =	sadd.s32 $0x20E00, s7;
	s10 =	smul.u32 $0x7812, s25  }
0xd: {  	_ =	strace $0x80000047;
	s8 =	ssub.s32 $0x2, s8;
	s11 =	smul.u32 $0x3D09, s25  }
0xe: {  	s13 =	sshrl.u32 s8, $0x1;
	s28 =	sshrl.u32 s14, $0x2;
	p0 =	seq.s32 s25, $0x0  }
0xf: {  	p1 =	sne.s32 s25, $0x0;
	s25 =	simm.s32 $0x8;
	s15 =	ssub.s32 s8, s13  }
0x10: {  	s9 =	sadd.s32 s28, s9;
	s10 =	sand.u32 $0xFFFF8, s10;
	s26 =	sand.u32 $0x7FFF8, s11  }
0x11: {  	s15 =	smax.u32 s15, $0x1;
	s18 =	sshrl.u32 s9, $0x3;
	s10 =	smin.u32 s10, $0xE8A28  }
.Ltmp0:
0x12: {  	s8 =	smin.u32 s26, $0x76410;
	s29 =	sshrl.u32 s10, $0x3;
	(pc) =	sbr.rel .LBB2_1-.Ltmp0, $4  }
0x13: {  	s26 =	simm.s32 $0x0;
	s30 =	sshll.u32 s8, $0x4;
	s31 =	sadd.s32 $0x800, s29  }
0x14: {  	s10 =	sadd.s32 s3, s30;
	s16 =	sadd.s32 $0x1000, s29;
	s11 =	sadd.s32 s12, s31  }
0x15: {  	s12 =	sadd.s32 s12, s16;
	s14 =	sadd.s32 s4, s16;
	s16 =	sshll.u32 s0, $0x6  }
0x16: {  	s13 =	sadd.s32 s4, s31;
	s10 =	smov.u32 @p0 s6;
	s17 =	sor.u32 $0x1C01, s16  }
.LBB2_10:
0x17: {  	_ =	swait.ge [sflag:s23], $0x1000  }
0x18: {  	[sflag:s23] =	ssyncset.done $0x0  }
0x19: {  	[sflag:s23] =	ssyncadd.s32 $0xFFFFF000  }
0x1a: {  	_ =	swait.ge [sflag:s24], $0x1000  }
0x1b: {  	[sflag:s24] =	ssyncset.done $0x0  }
0x1c: {  	s0 =	simm.s32 @p0 $0xA;
	[sflag:s24] =	ssyncadd.s32 $0xFFFFF000  }
0x1d: {  	_ =	swait.ge @p0 [sflag:s0], $0x3818  }
0x1e: {  	[sflag:s0] =	ssyncset.done @p0 $0x0  }
0x1f: {  	[sflag:s0] =	ssyncadd.s32 @p0 $0xFFFFC7E8;
	s0 =	simm.s32 @p0 $0x8  }
0x20: {  	_ =	swait.ge @p0 [sflag:s0], $0x4000  }
0x21: {  	[sflag:s0] =	ssyncset.done @p0 $0x0  }
0x22: {  	s26 =	sadd.s32 $0x1, s26;
	[sflag:s0] =	ssyncadd.s32 @p0 $0xFFFFC000;
	s0 =	simm.s32 @!p0 $0x8  }
0x23: {  	p2 =	sne.s32 s26, s15;
	_ =	swait.ge @!p0 [sflag:s0], $0x4000  }
.Ltmp1:
0x24: {  	[sflag:s0] =	ssyncset.done @!p0 $0x0;
	(pc) =	sbr.rel @!p2 .LBB2_11-.Ltmp1, $4  }
0x25: {  	[sflag:s0] =	ssyncadd.s32 @!p0 $0xFFFFC000;
	s0 =	simm.s32 @!p0 $0xA  }
0x26: {  	_ =	swait.ge @!p0 [sflag:s0], $0x3818  }
0x27: {  	[sflag:s0] =	ssyncset.done @!p0 $0x0  }
0x28: {  	[sflag:s0] =	ssyncadd.s32 @!p0 $0xFFFFC7E8  }
.LBB2_1:
.Ltmp2:
0x29: {  	(pc) =	sbr.rel .LBB2_2-.Ltmp2, $4  }
0x2a: {  	[spmem:s18], [sflag:s17] =	dma.local [hbm:s10], $0x1000  }
0x2b: {  	[tilespmem:s19], [sflag:$0x7] =	stream.linear.gather [hbm4b:s11+s5], $0x4000, $0x38;
	[tilespmem:$0x1F880] =	vst v63  }
0x2c: {  	s28 =	simm.s32 $0x0  }
0x2d: {  	[tilespmem:s20], [sflag:$0x9] =	stream.linear.gather [hbm4b:s12+s5], $0x3818, $0x38;
	[tilespmem:$0x1F880] =	vst v63  }
.LBB2_5:
0x2e: {  	_ =	swait.ge [sflag:s21], $0x4000  }
0x2f: {  	[sflag:s21] =	ssyncset.done $0x0  }
0x30: {  	[sflag:s21] =	ssyncadd.s32 $0xFFFFC000  }
0x31: {  	[hbm4b:s13+s5] =	stream.linear.scatter [tilespmem:s19], [sflag:$0x8], $0x4000, $0x38;
	[tilespmem:$0x1F880] =	vst v63  }
0x32: {  	_ =	swait.ge [sflag:s22], $0x3818  }
0x33: {  	[sflag:s22] =	ssyncset.done $0x0  }
0x34: {  	[sflag:s22] =	ssyncadd.s32 $0xFFFFC7E8  }
0x35: {  	[hbm4b:s14+s5] =	stream.linear.scatter [tilespmem:s20], [sflag:$0xA], $0x3818, $0x38;
	[tilespmem:$0x1F880] =	vst v63  }
.LBB2_9:
0x36: {  	p2 =	slt.u32 s28, $0x3E  }
.Ltmp3:
0x37: {  	_ = 	snop;
	(pc) =	sbr.rel @!p2 .LBB2_10-.Ltmp3, $1  }
0x38: {  	_ =	sdelay $0x3  }
.LBB2_2:
0x39: {  	p2 =	slt.u32 s28, $0x2  }
0x3a: {  	s29 =	smov.u32 s28;
	s28 =	sadd.s32 @!p2 $0xFFFFFFFE, s28  }
0x3b: {  	s30 =	sand.u32 @!p2 $0xFF, s28  }
0x3c: {  	s30 =	smul.u32 @!p2 $0xAB, s30;
	_ =	sdelay $0x1  }
0x3d: {  	s30 =	sshrl.u32 @!p2 s30, $0x9  }
0x3e: {  	s30 =	smul.u32 @!p2 $0x3, s30  }
0x3f: {  	p3 =	seq.s32 @!p2 s29, $0x3D  }
0x40: {  	p3 =	por p2, !p3;
	s28 =	ssub.s32 @!p2 s28, s30  }
.Ltmp4:
0x41: {  	s28 =	sor.u32 @!p2 $0x4, s28;
	(pc) =	sbr.rel @!p3 .LBB2_4-.Ltmp4, $4  }
0x42: {  	s28 =	sand.u32 @!p2 $0xFF, s28  }
0x43: {  	_ =	swait.ge @!p2 [sflag:s28], $0x1000  }
0x44: {  	[sflag:s28] =	ssyncset.done @!p2 $0x0  }
0x45: {  	[sflag:s28] =	ssyncadd.s32 @!p2 $0xFFFFF000;
	s28 =	simm.s32 @!p2 $0x3E  }
0x46: {  	s28 =	sadd.s32 $0x1, s29  }
0x47: {  	s30 =	smul.u32 $0xAB, s28;
	_ =	sdelay $0x1  }
0x48: {  	s30 =	sshrl.u32 s30, $0x9  }
0x49: {  	s30 =	sand.u32 $0x7F, s30  }
0x4a: {  	s30 =	smul.u32 $0x3, s30  }
0x4b: {  	s31 =	sshll.u32 s28, $0x8  }
0x4c: {  	s31 =	smin.u32 s31, $0x3C10;
	s30 =	ssub.s32 s28, s30  }
0x4d: {  	s1 =	smov.u32 s3;
	s31 =	sadd.s32 s8, s31;
	s30 =	sand.u32 $0xFF, s30  }
0x4e: {  	p2 =	slt.u32 s31, $0x2000;
	s31 =	sshll.u32 s31, $0x4;
	s0 =	sshll.u32 s30, $0xF  }
0x4f: {  	s1 =	smov.u32 @p2 s6;
	s30 =	sadd.s32 s16, s30;
	s0 =	sadd.s32 s0, s9  }
0x50: {  	s1 =	sadd.s32 s1, s31;
	s30 =	sadd.s32 $0x1C01, s30;
	s0 =	sshrl.u32 s0, $0x3  }
0x51: {  	[spmem:s0], [sflag:s30] =	dma.local [hbm:s1], $0x1000  }
.LBB2_4:
0x52: {  	s0 =	smul.u32 $0xAB, s29;
	_ =	sdelay $0x1  }
0x53: {  	s0 =	sshrl.u32 s0, $0x9  }
0x54: {  	s0 =	sand.u32 $0x7F, s0  }
0x55: {  	s0 =	smul.u32 $0x3, s0;
	_ =	sdelay $0x1  }
0x56: {  	s0 =	ssub.s32 s29, s0  }
0x57: {  	s0 =	sand.u32 $0xFF, s0  }
0x58: {  	s1 =	sadd.s32 $0x1, s0  }
0x59: {  	s30 =	sshll.u32 s29, $0x8;
	p2 =	sne.s32 s29, $0xA;
	_ =	swait.ge [sflag:s1], $0x1000  }
.Ltmp5:
0x5a: {  	s30 =	smin.u32 s30, $0x3C10;
	[sflag:s1] =	ssyncset.done $0x0;
	(pc) =	sbr.rel @!p2 .LBB2_5-.Ltmp5, $4  }
0x5b: {  	s31 =	sshll.u32 s0, $0xF;
	[sflag:s1] =	ssyncadd.s32 $0xFFFFF000;
	s1 =	sadd.s32 s8, s30  }
0x5c: {  	s0 =	sadd.s32 s0, s16;
	s30 =	sadd.s32 s31, s9;
	s1 =	sshll.u32 s1, $0x4  }
0x5d: {  	s0 =	sadd.s32 $0x1C04, s0;
	s30 =	sshrl.u32 s30, $0x3;
	s1 =	sadd.s32 s7, s1  }
0x5e: {  	[hbm:s1], [sflag:s0] =	dma.local [spmem:s30], $0x1000  }
0x5f: {  	p2 =	sne.s32 @!p1 s29, $0x1E  }
0x60: {  	p2 =	por p1, p2  }
.Ltmp6:
0x61: {  	_ = 	snop;
	(pc) =	sbr.rel @p2 .LBB2_8-.Ltmp6, $1  }
0x62: {  	_ =	sdelay $0x3  }
.Ltmp7:
0x63: {  	(pc) =	sbr.rel .LBB2_9-.Ltmp7, $4  }
0x64: {  	_ =	swait.ge [sflag:s25], $0x4000  }
0x65: {  	[sflag:s25] =	ssyncset.done $0x0  }
0x66: {  	[sflag:s25] =	ssyncadd.s32 $0xFFFFC000  }
0x67: {  	[tilespmem:s19], [sflag:$0x7] =	stream.linear.gather [hbm4b:s2+s5], $0x4000, $0x38;
	[tilespmem:$0x1F880] =	vst v63  }
.LBB2_8:
0x68: {  	p2 =	sne.s32 @!p1 s29, $0x28  }
0x69: {  	p2 =	por p2, p1  }
.Ltmp8:
0x6a: {  	s0 =	simm.s32 @!p2 $0x7;
	(pc) =	sbr.rel .LBB2_9-.Ltmp8, $4  }
0x6b: {  	_ =	swait.ge @!p2 [sflag:s0], $0x4000  }
0x6c: {  	[sflag:s0] =	ssyncset.done @!p2 $0x0  }
0x6d: {  	s1 =	simm.s32 @!p2 $0x18000;
	[sflag:s0] =	ssyncadd.s32 @!p2 $0xFFFFC000;
	s0 =	simm.s32 @!p2 $0x0  }
0x6e: {  	[hbm4b:s4+s0] =	stream.linear.scatter @!p2 [tilespmem:s1], [sflag:$0x8], $0x4000, $0x38;
	[tilespmem:$0x1F880] =	vst v63  }
.LBB2_11:
0x6f: {  	_ =	sfence.sel $0x180000  }
0x70: {  	[bflag:$0x0] =	sbarrier.arrive $0xFFFF  }
0x71: {  	_ =	strace $0x90000047  }
0x72: {  	s0 =	stileid.u32;
	[bflag:$0x2] =	sbarrier.arrive $0xFFFF  }
0x73: {  	p0 =	sne.s32 s0, $0x0;
	s0 =	rddreg [dreg:$0x6]  }
0x74: {  	s0 =	sadd.s32 @!p0 $0x100000, s0  }
0x75: {  	[sflag:s0] =	ssyncadd.tile.s32 @!p0 $0x1;
	_ =	shalt  }
.Lfunc_end2:
_tile_overlayer_lowered:
.L_overlay_start_2:
0x76: {  	(tag) =	ssettag $0x2  }
0x77: {  	s0 =	rddreg [dreg:$0x0];
	s2 =	stileid.u32  }
0x78: {  	s1 =	rddreg [dreg:$0x1];
	p0 =	sne.s32 s2, $0x0  }
0x79: {  	s3 =	rddreg [dreg:$0x2];
	[bflag:$0x3] =	sbarrier.arrive $0xFFFF;
	s2 =	simm.s32 @!p0 $0x1C0B  }
0x7a: {  	[timem:s3], [sflag:s2] =	dma.local @!p0 [hbm:s0], s1  }
0x7b: {  	s0 =	simm.s32 @!p0 $0xB  }
0x7c: {  	_ =	swait.ge @!p0 [sflag:s0], s1  }
0x7d: {  	s1 =	ssub.s32 @!p0 $0x0, s1;
	[sflag:s0] =	ssyncset.done @!p0 $0x0  }
0x7e: {  	[sflag:s0] =	ssyncadd.s32 @!p0 s1  }
0x7f: {  	[bflag:$0x3] =	sbarrier.arrive $0xFFFF  }
0x80: {  	_ =	shalt  }

// kernel: sparse-core-data-format-call.cloned.1.call-start
scs
called_computation_lowered:
.L_overlay_start_0:
0x0: {  	s2 =	sld [smem:$0x3FD9]  }
0x1: {  	s3 =	sld [smem:$0x3FFE];
	_ =	sdelay $0x1  }
0x2: {  	s1 =	srdreg.scid  }
0x3: {  	s0 =	sand.u32 $0x1, s1  }
0x4: {  	s15 =	sshll.u32 s0, $0xA;
	s2 =	sadd.s32 s3, s2  }
0x5: {  	s2 =	sadd.s32 s2, s15  }
0x6: {  	[smem:$0x3FC4] =	sst s2  }
0x7: {  	_ = 	snop  }
0x8: {  	s2 =	sld [smem:$0x3FD0];
	_ =	sdelay $0x2  }
0x9: {  	s16 =	simm.s32 $0xA;
	s4 =	simm.s32 $0x10  }
0xa: {  	[smem:s4], [sflag:s16] =	dma.local [hbm:s2], $0x1  }
0xb: {  	_ =	swait.eq [sflag:s16], $0x1  }
0xc: {  	[sflag:s16] =	ssyncset.done $0x0  }
0xd: {  	[sflag:s16] =	ssyncadd.s32 $0xFFFFFFFF  }
0xe: {  	s17 =	sld [smem:$0x10];
	(tm) =	ssettm $0x1  }
0xf: {  	s18 =	sld [smem:$0x3FFB];
	_ =	sdelay $0x3  }
0x10: {  	_ =	strace s18  }
0x11: {  	s3 =	sld [smem:$0x3FFC];
	_ =	sdelay $0x3  }
0x12: {  	_ =	strace s3  }
0x13: {  	s3 =	sld [smem:$0x3FFD];
	_ =	sdelay $0x3  }
0x14: {  	_ =	strace s3  }
0x15: {  	_ =	strace $0x8FFFFFFF  }
0x16: {  	s19 =	sld [smem:$0x3FDB];
	_ =	sdelay $0x1  }
0x17: {  	s20 =	simm.s32 $_scs_section_size  }
0x18: {  	s5 =	simm.s32 $_size__tile_overlayer_lowered;
	s6 =	simm.s32 $_tile_overlayer_lowered  }
0x19: {  	s23 =	simm.s32 $0x1BFF;
	s22 =	sshll.u32 s6, $0x1;
	s3 =	sadd.s32 s20, s19  }
0x1a: {  	s7 =	simm.s32 $0x0;
	s21 =	sshll.u32 s5, $0x1;
	s5 =	sadd.s32 s22, s3  }
0x1b: {  	[timem:s7], [sflag:s23] =	dma.local [hbm:s5], s21  }
0x1c: {  	_ =	swait.ge [sflag:s23], s21  }
0x1d: {  	s4 =	ssub.s32 $0x0, s21;
	[sflag:s23] =	ssyncset.done $0x0  }
0x1e: {  	[sflag:s23] =	ssyncadd.s32 s4;
	_ =	sdelay $0x1  }
0x1f: {  	s24 =	simm.s32 $0x1B8B  }
0x20: {  	_ =	swait.ge [sflag:s24], $0x1  }
0x21: {  	[sflag:s24] =	ssyncset.done $0x0  }
0x22: {  	s26 =	simm.s32 $0x1B8E;
	s25 =	sld [smem:$0x3FFE];
	[sflag:s24] =	ssyncadd.s32 $0xFFFFFFFF  }
0x23: {  	s27 =	simm.s32 $execute0_lowered;
	[smem:$0x3FD2] =	sst s26  }
0x24: {  	s5 =	sshll.u32 s27, $0x1;
	_ =	strace $0x80000049;
	[dreg:$0x1] =	wrdreg $0xFFFFFFFF  }
0x25: {  	s28 =	simm.s32 $_size_execute0_lowered;
	s3 =	sadd.s32 s3, s5;
	[dreg:$0x0] =	wrdreg $0x0  }
0x26: {  	s5 =	sshll.u32 s28, $0x1;
	[dreg:$0x2] =	wrdreg s3  }
0x27: {  	[dreg:$0x3] =	wrdreg s5  }
0x28: {  	[dreg:$0x4] =	wrdreg $0xC0  }
0x29: {  	_ =	task [dreg:s7], $0x5FFFF  }
0x2a: {  	[dreg:$0x1] =	wrdreg $0xFFFFFFFF  }
0x2b: {  	[dreg:$0x0] =	wrdreg $0x60  }
0x2c: {  	[dreg:$0x2] =	wrdreg s25  }
0x2d: {  	[dreg:$0x3] =	wrdreg s17  }
0x2e: {  	[dreg:$0x4] =	wrdreg $0x9  }
0x2f: {  	_ =	task.clear_ibuf [dreg:s7], $0x5FFFF;
	_ =	strace $0x90000049  }
0x30: {  	s29 =	simm.s32 $0x9;
	_ =	strace $0x8000004B  }
0x31: {  	_ =	swait.ge [sflag:s29], $0x1  }
0x32: {  	[sflag:s29] =	ssyncadd.s32 $0xFFFFFFFF  }
0x33: {  	_ =	strace $0x9000004B  }
0x34: {  	_ =	sfence  }
0x35: {  	s30 =	sld [smem:$0x0];
	_ =	sdelay $0x2  }
0x36: {  	s31 =	sshll.u32 s1, $0xD;
	s1 =	sshrl.u32 s1, $0x2  }
0x37: {  	s3 =	sand.u32 $0x4000, s31;
	s1 =	sadd.s32 s1, s30  }
0x38: {  	s0 =	sor.u32 s3, s0;
	s1 =	sshll.u32 s1, $0x11  }
0x39: {  	s0 =	sor.u32 s1, s0  }
0x3a: {  	s0 =	sadd.s32 $0x8F2B, s0  }
0x3b: {  	[sflag:s0] =	ssyncadd.remote.s32 $0x1  }
0x3c: {  	_ =	sfence.sel $0xFFFF  }
0x3d: {  	[dreg:$0x0] =	wrdreg $0xFFFFFFFF;
	(pc) =	sbr.abs _section_cstart, $3  }
0x3e: {  	[dreg:$0x1] =	wrdreg $0xFFFFFFFF  }
0x3f: {  	_ =	task.clear_ibuf [dreg:s7], $0x2FFFF;
	_ =	strace $0x9FFFFFFF  }
0x40: {  	(tm) =	ssettm $0x7FFFFFFF  }
0x41: {  	_ =	shalt  }
tec
execute0_lowered:
.L_overlay_start_1:
0x0: {  	(tag) =	ssettag $0x1  }
0x1: {  	s4 =	rddreg [dreg:$0x0]  }
0x2: {  	s0 =	srdreg.scid;
	s2 =	rddreg [dreg:$0x1]  }
0x3: {  	s1 =	stileid.u32;
	s5 =	simm.s32 $0x1;
	s0 =	sshll.u32 s0, $0x4  }
0x4: {  	s7 =	simm.s32 $0x2;
	s11 =	simm.s32 $0x0;
	s3 =	sand.u32 $0x10, s0  }
.Ltmp0:
0x5: {  	p0 =	por $0x0, $0x0;
	s3 =	sor.u32 s1, s3;
	(pc) =	sbr.rel .LBB1_1-.Ltmp0, $4  }
0x6: {  	s8 =	simm.s32 $0x7A1400;
	s10 =	simm.s32 $0x0;
	s3 =	sshll.u32 s3, $0x7  }
0x7: {  	s0 =	rddreg [dreg:$0x2];
	_ =	strace $0x8000004A;
	s6 =	ssub.s32 $0xF4200, s3  }
0x8: {  	s4 =	sadd.s32 $0x7C2000, s4;
	[sflag:s5] =	ssyncpa.u1 $0x0;
	s6 =	sshrl.u32 s6, $0xC  }
0x9: {  	[sflag:s7] =	ssyncpa.u1 $0x0;
	s9 =	smov.u32 s3;
	s7 =	sadd.s32 $0x2, s6  }
.LBB1_5:
0xa: {  	s13 =	sadd.s32 $0x1000, s9  }
0xb: {  	p2 =	sgt.s32 s13, $0xF423F  }
0xc: {  	s13 =	smov.u32 @p2 s3;
	p2 =	sne.s32 s10, s7  }
.Ltmp1:
0xd: {  	p1 =	slt.u32 s10, $0x2;
	(pc) =	sbr.rel @!p2 .LBB1_6-.Ltmp1, $4  }
0xe: {  	s12 =	simm.s32 @!p1 $0x2  }
0xf: {  	s14 =	sadd.s32 $0x1, s10;
	_ =	swait.ge @!p1 [sflag:s12], $0x2000  }
0x10: {  	s11 =	smov.u32 s9;
	p0 =	por !p0, !p0;
	[sflag:s12] =	ssyncset.done @!p1 $0x0  }
0x11: {  	s10 =	smov.u32 s14;
	s9 =	smov.u32 s13;
	[sflag:s12] =	ssyncadd.s32 @!p1 $0xFFFFE000  }
.LBB1_1:
0x12: {  	p1 =	sgt.u32 s10, s6  }
0x13: {  	s13 =	smov.u32 s9;
	p2 =	sgt.s32 @!p1 s9, $0xF41C0  }
0x14: {  	s12 =	sand.u32 @!p1 $0x1FFFFFF, s9;
	s14 =	sshra.s32 @!p1 s9, $0x1F;
	p2 =	por !p2, p1  }
0x15: {  	s15 =	smulhi.u32 @!p1 $0x218DEF5, s12;
	s14 =	sand.u32 @!p1 s14, s9;
	s13 =	simm.s32 @p2 $0xF41C0  }
0x16: {  	s13 =	ssub.s32 @!p1 s13, s14  }
0x17: {  	s14 =	sshrl.u32 @!p1 s15, $0xD;
	s13 =	sadd.s32 @!p1 $0xFFF0BE40, s13  }
0x18: {  	s15 =	sxor.u32 @!p1 $0xFFFFFFFF, s10;
	s14 =	smul.u32 @!p1 $0xF4240, s14;
	s16 =	sshll.u32 @!p1 s13, $0x8  }
0x19: {  	s15 =	sshll.u32 @!p1 s15, $0xD;
	p2 =	sgt.s32 @!p1 s13, $0x7F;
	s13 =	ssub.s32 @!p1 $0x8000, s16  }
0x1a: {  	s12 =	ssub.s32 @!p1 s12, s14;
	p2 =	por !p2, p1;
	s14 =	sand.u32 @!p1 $0x2000, s15  }
0x1b: {  	s15 =	simm.s32 @!p1 $0x40;
	s13 =	sshrl.u32 @!p1 s13, $0x2;
	s12 =	sshll.u32 @!p1 s12, $0x4  }
0x1c: {  	s16 =	simm.s32 @!p1 $0x80;
	s13 =	simm.s32 @!p2 $0x0;
	s12 =	sadd.s32 @!p1 s4, s12  }
0x1d: {  	[tilespmem:s14], [sflag:$0x1] =	stream.strided.gather @!p1 [hbm4b:s12+s15], s13, s16, s15, $0x38;
	[tilespmem:$0x8080] =	vst v63  }
0x1e: {  	p1 =	seq.s32 s10, $0x0  }
0x1f: {  	p2 =	sge.u32 @!p1 s10, s7  }
0x20: {  	p1 =	por p1, p2  }
.Ltmp2:
0x21: {  	_ = 	snop;
	(pc) =	sbr.rel @p1 .LBB1_5-.Ltmp2, $1  }
0x22: {  	_ =	sdelay $0x3  }
0x23: {  	p1 =	sgt.s32 s11, $0xF41C0;
	s12 =	smov.u32 s11;
	s13 =	sshra.s32 s11, $0x1F  }
0x24: {  	s12 =	simm.s32 @!p1 $0xF41C0;
	s13 =	sand.u32 s13, s11  }
0x25: {  	s12 =	ssub.s32 s12, s13  }
0x26: {  	s12 =	sadd.s32 $0xFFF0BE40, s12  }
0x27: {  	s28 =	sshll.u32 s12, $0x8  }
0x28: {  	s13 =	ssub.s32 $0x8000, s28  }
0x29: {  	p1 =	sgt.s32 s12, $0x7F;
	s12 =	sshrl.u32 s13, $0x2  }
0x2a: {  	s13 =	simm.s32 $0x1;
	s12 =	simm.s32 @p1 $0x0  }
0x2b: {  	s13 =	simm.s32 @!p0 $0x0;
	_ =	swait.ge [sflag:s5], s12  }
0x2c: {  	s14 =	sshll.u32 s13, $0xD;
	s12 =	ssub.s32 $0x0, s12;
	[sflag:s5] =	ssyncset.done $0x0  }
0x2d: {  	s16 =	sor.u32 $0x20, s14;
	[sflag:s5] =	ssyncadd.s32 s12  }
0x2e: {  	s29 =	smul.u32 $0x8100, s13;
	v3 =	vld [tilespmem:s16+$0x10]  }
0x2f: {  	s30 =	sand.u32 $0x1, s10;
	v2 =	vld [tilespmem:s16+$0xFFFFFFF0]  }
0x30: {  	s13 =	smul.u32 $0x8100, s30;
	s12 =	sshrl.u32 s29, $0x2;
	v0 =	vld [tilespmem:s16+$0x0]  }
0x31: {  	s14 =	sor.u32 $0x4000, s12;
	v1 =	vld [tilespmem:s16+$0xFFFFFFE0]  }
0x32: {  	s31 =	sshrl.u32 s13, $0x2;
	s13 =	sadd.s32 $0x0, s14  }
0x33: {  	s15 =	simm.s32 $0x4;
	s12 =	sor.u32 $0x4000, s31;
	s16 =	sadd.s32 $0x40, s16;
	[tilespmem:s13+$0x1830 ss:$0x81] =	vst.msk $0xffff, v3  }
.LBB1_3:
0x34: {  	v3 =	vld [tilespmem:s16+$0x10];
	p1 =	sne.s32 s15, $0x1FC;
	[tilespmem:s13+$0x810 ss:$0x81] =	vst.msk $0xffff, v2;
	s17 =	smov.u32 s15;
	s15 =	sadd.s32 $0x4, s15  }
.Ltmp3:
0x35: {  	v2 =	vld [tilespmem:s16+$0xFFFFFFF0];
	[tilespmem:s13+$0x1020 ss:$0x81] =	vst.msk $0xffff, v0;
	(pc) =	sbr.rel @p1 .LBB1_3-.Ltmp3, $4  }
0x36: {  	v0 =	vld [tilespmem:s16+$0x0];
	[tilespmem:s13+$0x0 ss:$0x81] =	vst.msk $0xffff, v1  }
0x37: {  	s13 =	sshra.s32 s17, $0x2;
	v1 =	vld [tilespmem:s16+$0xFFFFFFE0]  }
0x38: {  	s13 =	sadd.s32 s13, s14  }
0x39: {  	s16 =	sadd.s32 $0x40, s16;
	[tilespmem:s13+$0x1830 ss:$0x81] =	vst.msk $0xffff, v3  }
0x3a: {  	s14 =	sshll.u32 s11, $0x3  }
0x3b: {  	s30 =	sand.u32 $0x7F, s11;
	s14 =	sand.u32 $0xFFFFFC00, s14  }
0x3c: {  	s11 =	sor.u32 s30, s14  }
0x3d: {  	s15 =	smulhi.u32 $0x218D6287, s11;
	_ =	sdelay $0x1  }
0x3e: {  	s14 =	smulhi.u32 $0x218D6287, s14;
	s15 =	sshrl.u32 s15, $0x11  }
0x3f: {  	s15 =	smul.u32 $0xF4280, s15  }
0x40: {  	s14 =	sshrl.u32 s14, $0x11  }
.Ltmp4:
0x41: {  	s14 =	sand.u32 $0x3F, s14;
	s11 =	ssub.s32 s11, s15;
	(pc) =	sbr.rel .LBB1_5-.Ltmp4, $4  }
0x42: {  	[tilespmem:s13+$0x810 ss:$0x81] =	vst.msk $0xffff, v2;
	s14 =	smul.u32 $0x1E850, s14;
	s15 =	sshrl.u32 s11, $0x3;
	s11 =	sand.u32 $0x7, s11  }
0x43: {  	[tilespmem:s13+$0x1020 ss:$0x81] =	vst.msk $0xffff, v0;
	s15 =	sadd.s32 s2, s15;
	s11 =	sshll.u32 s11, $0x12  }
0x44: {  	[tilespmem:s13+$0x0 ss:$0x81] =	vst.msk $0xffff, v1;
	s31 =	sadd.s32 s14, s15;
	s11 =	sor.u32 $0x400, s11  }
0x45: {  	[hbm4b:s31+s11] =	stream.strided.scatter [tilespmem:s12], [sflag:$0x2], $0x2000, s8, s11, $0x20;
	[tilespmem:$0x8080] =	vst v63  }
.LBB1_6:
0x46: {  	_ =	sfence.sel $0x180000  }
0x47: {  	s2 =	simm.s32 $0x1;
	[bflag:$0x0] =	sbarrier.arrive $0xFFFF  }
0x48: {  	s31 =	simm.s32 $0x2;
	[sflag:s2] =	ssyncpa.u1 $0x1  }
0x49: {  	[sflag:s31] =	ssyncpa.u1 $0x1  }
0x4a: {  	p0 =	sne.s32 s1, $0x0;
	_ =	strace $0x9000004A  }
0x4b: {  	s0 =	sadd.s32 @!p0 $0x100000, s0;
	[bflag:$0x2] =	sbarrier.arrive $0xFFFF  }
0x4c: {  	[sflag:s0] =	ssyncadd.tile.s32 @!p0 $0x1;
	_ =	shalt  }
.Lfunc_end1:
_tile_overlayer_lowered:
.L_overlay_start_2:
0x4d: {  	(tag) =	ssettag $0x2  }
0x4e: {  	s0 =	rddreg [dreg:$0x0];
	s2 =	stileid.u32  }
0x4f: {  	s1 =	rddreg [dreg:$0x1];
	p0 =	sne.s32 s2, $0x0  }
0x50: {  	s3 =	rddreg [dreg:$0x2];
	[bflag:$0x3] =	sbarrier.arrive $0xFFFF;
	s2 =	simm.s32 @!p0 $0x1C01  }
0x51: {  	[timem:s3], [sflag:s2] =	dma.local @!p0 [hbm:s0], s1  }
0x52: {  	s0 =	simm.s32 @!p0 $0x1  }
0x53: {  	_ =	swait.ge @!p0 [sflag:s0], s1  }
0x54: {  	s1 =	ssub.s32 @!p0 $0x0, s1;
	[sflag:s0] =	ssyncset.done @!p0 $0x0  }
0x55: {  	[sflag:s0] =	ssyncadd.s32 @!p0 s1  }
0x56: {  	[bflag:$0x3] =	sbarrier.arrive $0xFFFF  }
0x57: {  	_ =	shalt  }

</sc_bundles>
